<compile_context>
chip_gen: v7x
topology: tpu7x:2x2x1
jax: 0.10.2.dev20260603
libtpu: 0.0.44.dev20260713+nightly
codegen_flags: <defaults>
</compile_context>

<pallas_src>
import functools

import jax
import jax.numpy as jnp
from jax import lax
from jax.experimental import pallas as pl
from jax.experimental.pallas import tpu as pltpu
from jax.experimental.pallas import tpu_sc as plsc

CHUNK = 8
NBUF = 8


@functools.lru_cache(maxsize=None)
def _make_gather(total, hidden):
    info = plsc.get_sparse_core_info()
    nw = info.num_cores * info.num_subcores
    b_per_w = total // nw
    n_chunks = b_per_w // CHUNK
    assert n_chunks % NBUF == 0
    mesh = plsc.VectorSubcoreMesh(core_axis_name="c", subcore_axis_name="s")

    scratch = (
        [pltpu.VMEM((n_chunks, CHUNK), jnp.int32)]
        + [pltpu.VMEM((CHUNK, hidden), jnp.float32)] * NBUF
        + [pltpu.SemaphoreType.DMA] * NBUF
        + [pltpu.SemaphoreType.DMA] * NBUF
    )

    @functools.partial(
        pl.kernel,
        out_type=jax.ShapeDtypeStruct((total, hidden), jnp.float32),
        mesh=mesh,
        scratch_types=scratch,
    )
    def gather_kernel(ids_hbm, table_hbm, out_hbm, idx_v, *bufs_sems):
        bufs = bufs_sems[:NBUF]
        gsems = bufs_sems[NBUF : 2 * NBUF]
        ssems = bufs_sems[2 * NBUF :]
        w = lax.axis_index("s") * info.num_cores + lax.axis_index("c")
        row0 = w * b_per_w
        pltpu.sync_copy(ids_hbm.at[pl.ds(w * n_chunks, n_chunks)], idx_v)

        def wait_gather(b):
            pltpu.make_async_copy(
                table_hbm.at[pl.ds(0, CHUNK)], bufs[b], gsems[b]
            ).wait()

        def wait_store(b):
            pltpu.make_async_copy(
                table_hbm.at[pl.ds(0, CHUNK)], bufs[b], ssems[b]
            ).wait()

        LA = NBUF - 2
        for i in range(LA):
            pltpu.async_copy(table_hbm.at[idx_v.at[i]], bufs[i], gsems[i])

        def group(i0, carry):
            for j in range(NBUF):
                i = i0 * NBUF + j
                nb = (j + LA) % NBUF

                @pl.when(i + LA >= NBUF)
                def _():
                    wait_store(nb)

                @pl.when(i + LA < n_chunks)
                def _():
                    pltpu.async_copy(
                        table_hbm.at[idx_v.at[i + LA]], bufs[nb], gsems[nb]
                    )

                wait_gather(j)
                pltpu.async_copy(
                    bufs[j], out_hbm.at[pl.ds(row0 + i * CHUNK, CHUNK)], ssems[j]
                )
            return carry

        lax.fori_loop(0, n_chunks // NBUF, group, 0)
        for i in range(n_chunks - (NBUF - LA), n_chunks):
            wait_store(i % NBUF)

    return gather_kernel


def kernel(position_ids, embedding_table):
    batch, seq = position_ids.shape
    hidden = embedding_table.shape[1]
    total = batch * seq
    ids = position_ids.reshape(total // CHUNK, CHUNK).astype(jnp.int32)
    out = _make_gather(total, hidden)(ids, embedding_table)
    return out.reshape(batch, seq, hidden)

# --- scband reference (transcript-rebuilt; emitter-appended) ---
"""Pipeline reference for scband-position-embeddings-40175124086897 (READ-ONLY COPY).

The authoritative reference and input builder live on the scoring server;
editing this copy changes nothing except your own understanding.
"""

import jax, jax.numpy as jnp
import numpy as np

MAX_POS = 8192
HIDDEN = 1024
BATCH = 4
SEQ = 8192

def setup_inputs(seed: int = 0) -> dict:
    key = jax.random.key(seed)
    k1, k2 = jax.random.split(key)
    position_ids = jax.random.randint(k1, (BATCH, SEQ), 0, MAX_POS, dtype=jnp.int64 if jax.config.jax_enable_x64 else jnp.int32)
    embedding_table = jax.random.normal(k2, (MAX_POS, HIDDEN), dtype=jnp.float32) * 0.02
    return {"position_ids": position_ids, "embedding_table": embedding_table}

def reference(position_ids, embedding_table):
    # nn.Embedding lookup: gather rows of the table.
    position_embeddings = jnp.take(embedding_table, position_ids, axis=0)
    # dropout with training=False is identity (eval mode).
    return position_embeddings

if __name__ == "__main__":
    import jax
    _d = setup_inputs()
    print(jax.jit(kernel)(*tuple(_d.values())))

</pallas_src>

<mosaic_0001>
#map = affine_map<(d0, d1) -> (0, 0)>
module attributes {stable_mosaic.version = 14 : i64} {
  func.func @gather_kernel(%arg0: i32, %arg1: i32, %arg2: memref<4096x8xi32, #tpu.memory_space<hbm>>, %arg3: memref<8192x1024xf32, #tpu.memory_space<hbm>>, %arg4: memref<32768x1024xf32, #tpu.memory_space<hbm>>, %arg5: memref<128x8xi32, #tpu.memory_space<vmem>>, %arg6: memref<8x1024xf32, #tpu.memory_space<vmem>>, %arg7: memref<8x1024xf32, #tpu.memory_space<vmem>>, %arg8: memref<8x1024xf32, #tpu.memory_space<vmem>>, %arg9: memref<8x1024xf32, #tpu.memory_space<vmem>>, %arg10: memref<8x1024xf32, #tpu.memory_space<vmem>>, %arg11: memref<8x1024xf32, #tpu.memory_space<vmem>>, %arg12: memref<8x1024xf32, #tpu.memory_space<vmem>>, %arg13: memref<8x1024xf32, #tpu.memory_space<vmem>>, %arg14: memref<!tpu.dma_semaphore, #tpu.memory_space<semaphore_mem>>, %arg15: memref<!tpu.dma_semaphore, #tpu.memory_space<semaphore_mem>>, %arg16: memref<!tpu.dma_semaphore, #tpu.memory_space<semaphore_mem>>, %arg17: memref<!tpu.dma_semaphore, #tpu.memory_space<semaphore_mem>>, %arg18: memref<!tpu.dma_semaphore, #tpu.memory_space<semaphore_mem>>, %arg19: memref<!tpu.dma_semaphore, #tpu.memory_space<semaphore_mem>>, %arg20: memref<!tpu.dma_semaphore, #tpu.memory_space<semaphore_mem>>, %arg21: memref<!tpu.dma_semaphore, #tpu.memory_space<semaphore_mem>>, %arg22: memref<!tpu.dma_semaphore, #tpu.memory_space<semaphore_mem>>, %arg23: memref<!tpu.dma_semaphore, #tpu.memory_space<semaphore_mem>>, %arg24: memref<!tpu.dma_semaphore, #tpu.memory_space<semaphore_mem>>, %arg25: memref<!tpu.dma_semaphore, #tpu.memory_space<semaphore_mem>>, %arg26: memref<!tpu.dma_semaphore, #tpu.memory_space<semaphore_mem>>, %arg27: memref<!tpu.dma_semaphore, #tpu.memory_space<semaphore_mem>>, %arg28: memref<!tpu.dma_semaphore, #tpu.memory_space<semaphore_mem>>, %arg29: memref<!tpu.dma_semaphore, #tpu.memory_space<semaphore_mem>>) attributes {dimension_semantics = [#tpu.dimension_semantics<core_parallel>, #tpu.dimension_semantics<subcore_parallel>], iteration_bounds = array<i64: 2, 16>, scalar_prefetch = 0 : i64, scratch_operands = 25 : i64, tpu.core_type = #tpu.core_type<sc_vector_subcore>, window_params = [{transform_indices = #map}, {transform_indices = #map}, {transform_indices = #map}]} {
    %mul3A = arith.constant 2 : i32
    %mul3A_0 = arith.muli %arg1, %mul3A : i32
    %add3A = arith.addi %mul3A_0, %arg0 : i32
    %mul3A_1 = arith.constant 1024 : i32
    %mul3A_2 = arith.muli %add3A, %mul3A_1 : i32
    %mul3A_3 = arith.constant 128 : i32
    %mul3A_4 = arith.muli %add3A, %mul3A_3 : i32
    "tpu.region"() ({
      %run_scoped3A = tpu.sem_alloc : memref<!tpu.dma_semaphore, #tpu.memory_space<semaphore_mem>>
      %dma_start3A_62 = arith.constant 0 : i32
      %dma_start3A_63 = tpu.memref_slice %arg2[%mul3A_4, %dma_start3A_62] : memref<4096x8xi32, #tpu.memory_space<hbm>> -> memref<128x8xi32, #tpu.memory_space<hbm>>
      %dma_start3A_64 = arith.constant 0 : i32
      %dma_start3A_65 = tpu.memref_slice %arg2[%mul3A_4, %dma_start3A_64] : memref<4096x8xi32, #tpu.memory_space<hbm>> -> memref<128x8xi32, #tpu.memory_space<hbm>>
      tpu.enqueue_dma source(%dma_start3A_65 : memref<128x8xi32, #tpu.memory_space<hbm>>) target(%arg5 : memref<128x8xi32, #tpu.memory_space<vmem>>) target_semaphore(%run_scoped3A : memref<!tpu.dma_semaphore, #tpu.memory_space<semaphore_mem>>)
      %dma_wait3A_66 = arith.constant 0 : i32
      %dma_wait3A_67 = tpu.memref_slice %arg2[%mul3A_4, %dma_wait3A_66] : memref<4096x8xi32, #tpu.memory_space<hbm>> -> memref<128x8xi32, #tpu.memory_space<hbm>>
      %dma_wait3A_68 = arith.constant 0 : i32
      %dma_wait3A_69 = tpu.memref_slice %arg2[%mul3A_4, %dma_wait3A_68] : memref<4096x8xi32, #tpu.memory_space<hbm>> -> memref<128x8xi32, #tpu.memory_space<hbm>>
      tpu.wait_dma2 semaphore(%run_scoped3A : memref<!tpu.dma_semaphore, #tpu.memory_space<semaphore_mem>>) src(%dma_wait3A_69 : memref<128x8xi32, #tpu.memory_space<hbm>>) dst(%arg5 : memref<128x8xi32, #tpu.memory_space<vmem>>)
      tpu.yield
    }) : () -> ()
    %dma_start3A = arith.constant 0 : i32
    %dma_start3A_5 = arith.constant 0 : i32
    %dma_start3A_6 = tpu.memref_slice %arg5[%dma_start3A, %dma_start3A_5] : memref<128x8xi32, #tpu.memory_space<vmem>> -> memref<1x8xi32, #tpu.memory_space<vmem>>
    %dma_start3A_7 = tpu.memref_squeeze %dma_start3A_6 : memref<1x8xi32, #tpu.memory_space<vmem>> -> memref<8xi32, #tpu.memory_space<vmem>>
    %dma_start3A_8 = arith.constant 0 : i32
    %dma_start3A_9 = arith.constant 0 : i32
    %dma_start3A_10 = tpu.memref_slice %arg3[%dma_start3A_8, %dma_start3A_9] : memref<8192x1024xf32, #tpu.memory_space<hbm>> -> memref<8192x1024xf32, #tpu.memory_space<hbm>>
    tpu.enqueue_indirect_dma source(%dma_start3A_10 : memref<8192x1024xf32, #tpu.memory_space<hbm>>) target(%arg6 : memref<8x1024xf32, #tpu.memory_space<vmem>>) offsets(%dma_start3A_7 : memref<8xi32, #tpu.memory_space<vmem>>) semaphore(%arg14 : memref<!tpu.dma_semaphore, #tpu.memory_space<semaphore_mem>>)
    %dma_start3A_11 = arith.constant 1 : i32
    %dma_start3A_12 = arith.constant 0 : i32
    %dma_start3A_13 = tpu.memref_slice %arg5[%dma_start3A_11, %dma_start3A_12] : memref<128x8xi32, #tpu.memory_space<vmem>> -> memref<1x8xi32, #tpu.memory_space<vmem>>
    %dma_start3A_14 = tpu.memref_squeeze %dma_start3A_13 : memref<1x8xi32, #tpu.memory_space<vmem>> -> memref<8xi32, #tpu.memory_space<vmem>>
    %dma_start3A_15 = arith.constant 0 : i32
    %dma_start3A_16 = arith.constant 0 : i32
    %dma_start3A_17 = tpu.memref_slice %arg3[%dma_start3A_15, %dma_start3A_16] : memref<8192x1024xf32, #tpu.memory_space<hbm>> -> memref<8192x1024xf32, #tpu.memory_space<hbm>>
    tpu.enqueue_indirect_dma source(%dma_start3A_17 : memref<8192x1024xf32, #tpu.memory_space<hbm>>) target(%arg7 : memref<8x1024xf32, #tpu.memory_space<vmem>>) offsets(%dma_start3A_14 : memref<8xi32, #tpu.memory_space<vmem>>) semaphore(%arg15 : memref<!tpu.dma_semaphore, #tpu.memory_space<semaphore_mem>>)
    %dma_start3A_18 = arith.constant 2 : i32
    %dma_start3A_19 = arith.constant 0 : i32
    %dma_start3A_20 = tpu.memref_slice %arg5[%dma_start3A_18, %dma_start3A_19] : memref<128x8xi32, #tpu.memory_space<vmem>> -> memref<1x8xi32, #tpu.memory_space<vmem>>
    %dma_start3A_21 = tpu.memref_squeeze %dma_start3A_20 : memref<1x8xi32, #tpu.memory_space<vmem>> -> memref<8xi32, #tpu.memory_space<vmem>>
    %dma_start3A_22 = arith.constant 0 : i32
    %dma_start3A_23 = arith.constant 0 : i32
    %dma_start3A_24 = tpu.memref_slice %arg3[%dma_start3A_22, %dma_start3A_23] : memref<8192x1024xf32, #tpu.memory_space<hbm>> -> memref<8192x1024xf32, #tpu.memory_space<hbm>>
    tpu.enqueue_indirect_dma source(%dma_start3A_24 : memref<8192x1024xf32, #tpu.memory_space<hbm>>) target(%arg8 : memref<8x1024xf32, #tpu.memory_space<vmem>>) offsets(%dma_start3A_21 : memref<8xi32, #tpu.memory_space<vmem>>) semaphore(%arg16 : memref<!tpu.dma_semaphore, #tpu.memory_space<semaphore_mem>>)
    %dma_start3A_25 = arith.constant 3 : i32
    %dma_start3A_26 = arith.constant 0 : i32
    %dma_start3A_27 = tpu.memref_slice %arg5[%dma_start3A_25, %dma_start3A_26] : memref<128x8xi32, #tpu.memory_space<vmem>> -> memref<1x8xi32, #tpu.memory_space<vmem>>
    %dma_start3A_28 = tpu.memref_squeeze %dma_start3A_27 : memref<1x8xi32, #tpu.memory_space<vmem>> -> memref<8xi32, #tpu.memory_space<vmem>>
    %dma_start3A_29 = arith.constant 0 : i32
    %dma_start3A_30 = arith.constant 0 : i32
    %dma_start3A_31 = tpu.memref_slice %arg3[%dma_start3A_29, %dma_start3A_30] : memref<8192x1024xf32, #tpu.memory_space<hbm>> -> memref<8192x1024xf32, #tpu.memory_space<hbm>>
    tpu.enqueue_indirect_dma source(%dma_start3A_31 : memref<8192x1024xf32, #tpu.memory_space<hbm>>) target(%arg9 : memref<8x1024xf32, #tpu.memory_space<vmem>>) offsets(%dma_start3A_28 : memref<8xi32, #tpu.memory_space<vmem>>) semaphore(%arg17 : memref<!tpu.dma_semaphore, #tpu.memory_space<semaphore_mem>>)
    %dma_start3A_32 = arith.constant 4 : i32
    %dma_start3A_33 = arith.constant 0 : i32
    %dma_start3A_34 = tpu.memref_slice %arg5[%dma_start3A_32, %dma_start3A_33] : memref<128x8xi32, #tpu.memory_space<vmem>> -> memref<1x8xi32, #tpu.memory_space<vmem>>
    %dma_start3A_35 = tpu.memref_squeeze %dma_start3A_34 : memref<1x8xi32, #tpu.memory_space<vmem>> -> memref<8xi32, #tpu.memory_space<vmem>>
    %dma_start3A_36 = arith.constant 0 : i32
    %dma_start3A_37 = arith.constant 0 : i32
    %dma_start3A_38 = tpu.memref_slice %arg3[%dma_start3A_36, %dma_start3A_37] : memref<8192x1024xf32, #tpu.memory_space<hbm>> -> memref<8192x1024xf32, #tpu.memory_space<hbm>>
    tpu.enqueue_indirect_dma source(%dma_start3A_38 : memref<8192x1024xf32, #tpu.memory_space<hbm>>) target(%arg10 : memref<8x1024xf32, #tpu.memory_space<vmem>>) offsets(%dma_start3A_35 : memref<8xi32, #tpu.memory_space<vmem>>) semaphore(%arg18 : memref<!tpu.dma_semaphore, #tpu.memory_space<semaphore_mem>>)
    %dma_start3A_39 = arith.constant 5 : i32
    %dma_start3A_40 = arith.constant 0 : i32
    %dma_start3A_41 = tpu.memref_slice %arg5[%dma_start3A_39, %dma_start3A_40] : memref<128x8xi32, #tpu.memory_space<vmem>> -> memref<1x8xi32, #tpu.memory_space<vmem>>
    %dma_start3A_42 = tpu.memref_squeeze %dma_start3A_41 : memref<1x8xi32, #tpu.memory_space<vmem>> -> memref<8xi32, #tpu.memory_space<vmem>>
    %dma_start3A_43 = arith.constant 0 : i32
    %dma_start3A_44 = arith.constant 0 : i32
    %dma_start3A_45 = tpu.memref_slice %arg3[%dma_start3A_43, %dma_start3A_44] : memref<8192x1024xf32, #tpu.memory_space<hbm>> -> memref<8192x1024xf32, #tpu.memory_space<hbm>>
    tpu.enqueue_indirect_dma source(%dma_start3A_45 : memref<8192x1024xf32, #tpu.memory_space<hbm>>) target(%arg11 : memref<8x1024xf32, #tpu.memory_space<vmem>>) offsets(%dma_start3A_42 : memref<8xi32, #tpu.memory_space<vmem>>) semaphore(%arg19 : memref<!tpu.dma_semaphore, #tpu.memory_space<semaphore_mem>>)
    %scan3A = arith.constant 0 : i32
    %scan3A_46 = arith.constant 0 : i32
    %scan3A_47 = arith.constant 16 : i32
    %scan3A_48 = arith.addi %scan3A_46, %scan3A_47 : i32
    %scan3A_49 = arith.constant 1 : i32
    scf.for %scan3A_62 = %scan3A_46 to %scan3A_48 step %scan3A_49  : i32 {
      %mul3A_63 = arith.constant 8 : i32
      %mul3A_64 = arith.muli %scan3A_62, %mul3A_63 : i32
      %add3A_65 = arith.constant 0 : i32
      %add3A_66 = arith.addi %mul3A_64, %add3A_65 : i32
      %add3A_67 = arith.constant 6 : i32
      %add3A_68 = arith.addi %add3A_66, %add3A_67 : i32
      %ge3A = arith.constant 8 : i32
      %ge3A_69 = arith.cmpi sge, %add3A_68, %ge3A : i32
      %convert_element_type3A = arith.extui %ge3A_69 : i1 to i32
      %cond3A = arith.constant 0 : i32
      %cond3A_70 = arith.cmpi ne, %convert_element_type3A, %cond3A : i32
      scf.if %cond3A_70 {
        %dma_wait3A_307 = arith.constant 0 : i32
        %dma_wait3A_308 = arith.constant 0 : i32
        %dma_wait3A_309 = tpu.memref_slice %arg3[%dma_wait3A_307, %dma_wait3A_308] : memref<8192x1024xf32, #tpu.memory_space<hbm>> -> memref<8x1024xf32, #tpu.memory_space<hbm>>
        %dma_wait3A_310 = arith.constant 0 : i32
        %dma_wait3A_311 = arith.constant 0 : i32
        %dma_wait3A_312 = tpu.memref_slice %arg3[%dma_wait3A_310, %dma_wait3A_311] : memref<8192x1024xf32, #tpu.memory_space<hbm>> -> memref<8x1024xf32, #tpu.memory_space<hbm>>
        tpu.wait_dma2 semaphore(%arg28 : memref<!tpu.dma_semaphore, #tpu.memory_space<semaphore_mem>>) src(%dma_wait3A_312 : memref<8x1024xf32, #tpu.memory_space<hbm>>) dst(%arg12 : memref<8x1024xf32, #tpu.memory_space<vmem>>)
      } else {
      }
      %add3A_71 = arith.constant 6 : i32
      %add3A_72 = arith.addi %add3A_66, %add3A_71 : i32
      %lt3A = arith.constant 128 : i32
      %lt3A_73 = arith.cmpi slt, %add3A_72, %lt3A : i32
      %convert_element_type3A_74 = arith.extui %lt3A_73 : i1 to i32
      %cond3A_75 = arith.constant 0 : i32
      %cond3A_76 = arith.cmpi ne, %convert_element_type3A_74, %cond3A_75 : i32
      scf.if %cond3A_76 {
        %add3A_307 = arith.constant 6 : i32
        %add3A_308 = arith.addi %add3A_66, %add3A_307 : i32
        %dma_start3A_309 = arith.constant 0 : i32
        %dma_start3A_310 = tpu.memref_slice %arg5[%add3A_308, %dma_start3A_309] : memref<128x8xi32, #tpu.memory_space<vmem>> -> memref<1x8xi32, #tpu.memory_space<vmem>>
        %dma_start3A_311 = tpu.memref_squeeze %dma_start3A_310 : memref<1x8xi32, #tpu.memory_space<vmem>> -> memref<8xi32, #tpu.memory_space<vmem>>
        %dma_start3A_312 = arith.constant 0 : i32
        %dma_start3A_313 = arith.constant 0 : i32
        %dma_start3A_314 = tpu.memref_slice %arg3[%dma_start3A_312, %dma_start3A_313] : memref<8192x1024xf32, #tpu.memory_space<hbm>> -> memref<8192x1024xf32, #tpu.memory_space<hbm>>
        tpu.enqueue_indirect_dma source(%dma_start3A_314 : memref<8192x1024xf32, #tpu.memory_space<hbm>>) target(%arg12 : memref<8x1024xf32, #tpu.memory_space<vmem>>) offsets(%dma_start3A_311 : memref<8xi32, #tpu.memory_space<vmem>>) semaphore(%arg20 : memref<!tpu.dma_semaphore, #tpu.memory_space<semaphore_mem>>)
      } else {
      }
      %dma_wait3A_77 = arith.constant 0 : i32
      %dma_wait3A_78 = arith.constant 0 : i32
      %dma_wait3A_79 = tpu.memref_slice %arg3[%dma_wait3A_77, %dma_wait3A_78] : memref<8192x1024xf32, #tpu.memory_space<hbm>> -> memref<8x1024xf32, #tpu.memory_space<hbm>>
      %dma_wait3A_80 = arith.constant 0 : i32
      %dma_wait3A_81 = arith.constant 0 : i32
      %dma_wait3A_82 = tpu.memref_slice %arg3[%dma_wait3A_80, %dma_wait3A_81] : memref<8192x1024xf32, #tpu.memory_space<hbm>> -> memref<8x1024xf32, #tpu.memory_space<hbm>>
      tpu.wait_dma2 semaphore(%arg14 : memref<!tpu.dma_semaphore, #tpu.memory_space<semaphore_mem>>) src(%dma_wait3A_82 : memref<8x1024xf32, #tpu.memory_space<hbm>>) dst(%arg6 : memref<8x1024xf32, #tpu.memory_space<vmem>>)
      %mul3A_83 = arith.constant 8 : i32
      %mul3A_84 = arith.muli %add3A_66, %mul3A_83 : i32
      %add3A_85 = arith.addi %mul3A_2, %mul3A_84 : i32
      %dma_start3A_86 = arith.constant 0 : i32
      %dma_start3A_87 = tpu.memref_slice %arg4[%add3A_85, %dma_start3A_86] : memref<32768x1024xf32, #tpu.memory_space<hbm>> -> memref<8x1024xf32, #tpu.memory_space<hbm>>
      %dma_start3A_88 = arith.constant 0 : i32
      %dma_start3A_89 = tpu.memref_slice %arg4[%add3A_85, %dma_start3A_88] : memref<32768x1024xf32, #tpu.memory_space<hbm>> -> memref<8x1024xf32, #tpu.memory_space<hbm>>
      tpu.enqueue_dma source(%arg6 : memref<8x1024xf32, #tpu.memory_space<vmem>>) target(%dma_start3A_89 : memref<8x1024xf32, #tpu.memory_space<hbm>>) target_semaphore(%arg22 : memref<!tpu.dma_semaphore, #tpu.memory_space<semaphore_mem>>)
      %mul3A_90 = arith.constant 8 : i32
      %mul3A_91 = arith.muli %scan3A_62, %mul3A_90 : i32
      %add3A_92 = arith.constant 1 : i32
      %add3A_93 = arith.addi %mul3A_91, %add3A_92 : i32
      %add3A_94 = arith.constant 6 : i32
      %add3A_95 = arith.addi %add3A_93, %add3A_94 : i32
      %ge3A_96 = arith.constant 8 : i32
      %ge3A_97 = arith.cmpi sge, %add3A_95, %ge3A_96 : i32
      %convert_element_type3A_98 = arith.extui %ge3A_97 : i1 to i32
      %cond3A_99 = arith.constant 0 : i32
      %cond3A_100 = arith.cmpi ne, %convert_element_type3A_98, %cond3A_99 : i32
      scf.if %cond3A_100 {
        %dma_wait3A_307 = arith.constant 0 : i32
        %dma_wait3A_308 = arith.constant 0 : i32
        %dma_wait3A_309 = tpu.memref_slice %arg3[%dma_wait3A_307, %dma_wait3A_308] : memref<8192x1024xf32, #tpu.memory_space<hbm>> -> memref<8x1024xf32, #tpu.memory_space<hbm>>
        %dma_wait3A_310 = arith.constant 0 : i32
        %dma_wait3A_311 = arith.constant 0 : i32
        %dma_wait3A_312 = tpu.memref_slice %arg3[%dma_wait3A_310, %dma_wait3A_311] : memref<8192x1024xf32, #tpu.memory_space<hbm>> -> memref<8x1024xf32, #tpu.memory_space<hbm>>
        tpu.wait_dma2 semaphore(%arg29 : memref<!tpu.dma_semaphore, #tpu.memory_space<semaphore_mem>>) src(%dma_wait3A_312 : memref<8x1024xf32, #tpu.memory_space<hbm>>) dst(%arg13 : memref<8x1024xf32, #tpu.memory_space<vmem>>)
      } else {
      }
      %add3A_101 = arith.constant 6 : i32
      %add3A_102 = arith.addi %add3A_93, %add3A_101 : i32
      %lt3A_103 = arith.constant 128 : i32
      %lt3A_104 = arith.cmpi slt, %add3A_102, %lt3A_103 : i32
      %convert_element_type3A_105 = arith.extui %lt3A_104 : i1 to i32
      %cond3A_106 = arith.constant 0 : i32
      %cond3A_107 = arith.cmpi ne, %convert_element_type3A_105, %cond3A_106 : i32
      scf.if %cond3A_107 {
        %add3A_307 = arith.constant 6 : i32
        %add3A_308 = arith.addi %add3A_93, %add3A_307 : i32
        %dma_start3A_309 = arith.constant 0 : i32
        %dma_start3A_310 = tpu.memref_slice %arg5[%add3A_308, %dma_start3A_309] : memref<128x8xi32, #tpu.memory_space<vmem>> -> memref<1x8xi32, #tpu.memory_space<vmem>>
        %dma_start3A_311 = tpu.memref_squeeze %dma_start3A_310 : memref<1x8xi32, #tpu.memory_space<vmem>> -> memref<8xi32, #tpu.memory_space<vmem>>
        %dma_start3A_312 = arith.constant 0 : i32
        %dma_start3A_313 = arith.constant 0 : i32
        %dma_start3A_314 = tpu.memref_slice %arg3[%dma_start3A_312, %dma_start3A_313] : memref<8192x1024xf32, #tpu.memory_space<hbm>> -> memref<8192x1024xf32, #tpu.memory_space<hbm>>
        tpu.enqueue_indirect_dma source(%dma_start3A_314 : memref<8192x1024xf32, #tpu.memory_space<hbm>>) target(%arg13 : memref<8x1024xf32, #tpu.memory_space<vmem>>) offsets(%dma_start3A_311 : memref<8xi32, #tpu.memory_space<vmem>>) semaphore(%arg21 : memref<!tpu.dma_semaphore, #tpu.memory_space<semaphore_mem>>)
      } else {
      }
      %dma_wait3A_108 = arith.constant 0 : i32
      %dma_wait3A_109 = arith.constant 0 : i32
      %dma_wait3A_110 = tpu.memref_slice %arg3[%dma_wait3A_108, %dma_wait3A_109] : memref<8192x1024xf32, #tpu.memory_space<hbm>> -> memref<8x1024xf32, #tpu.memory_space<hbm>>
      %dma_wait3A_111 = arith.constant 0 : i32
      %dma_wait3A_112 = arith.constant 0 : i32
      %dma_wait3A_113 = tpu.memref_slice %arg3[%dma_wait3A_111, %dma_wait3A_112] : memref<8192x1024xf32, #tpu.memory_space<hbm>> -> memref<8x1024xf32, #tpu.memory_space<hbm>>
      tpu.wait_dma2 semaphore(%arg15 : memref<!tpu.dma_semaphore, #tpu.memory_space<semaphore_mem>>) src(%dma_wait3A_113 : memref<8x1024xf32, #tpu.memory_space<hbm>>) dst(%arg7 : memref<8x1024xf32, #tpu.memory_space<vmem>>)
      %mul3A_114 = arith.constant 8 : i32
      %mul3A_115 = arith.muli %add3A_93, %mul3A_114 : i32
      %add3A_116 = arith.addi %mul3A_2, %mul3A_115 : i32
      %dma_start3A_117 = arith.constant 0 : i32
      %dma_start3A_118 = tpu.memref_slice %arg4[%add3A_116, %dma_start3A_117] : memref<32768x1024xf32, #tpu.memory_space<hbm>> -> memref<8x1024xf32, #tpu.memory_space<hbm>>
      %dma_start3A_119 = arith.constant 0 : i32
      %dma_start3A_120 = tpu.memref_slice %arg4[%add3A_116, %dma_start3A_119] : memref<32768x1024xf32, #tpu.memory_space<hbm>> -> memref<8x1024xf32, #tpu.memory_space<hbm>>
      tpu.enqueue_dma source(%arg7 : memref<8x1024xf32, #tpu.memory_space<vmem>>) target(%dma_start3A_120 : memref<8x1024xf32, #tpu.memory_space<hbm>>) target_semaphore(%arg23 : memref<!tpu.dma_semaphore, #tpu.memory_space<semaphore_mem>>)
      %mul3A_121 = arith.constant 8 : i32
      %mul3A_122 = arith.muli %scan3A_62, %mul3A_121 : i32
      %add3A_123 = arith.constant 2 : i32
      %add3A_124 = arith.addi %mul3A_122, %add3A_123 : i32
      %add3A_125 = arith.constant 6 : i32
      %add3A_126 = arith.addi %add3A_124, %add3A_125 : i32
      %ge3A_127 = arith.constant 8 : i32
      %ge3A_128 = arith.cmpi sge, %add3A_126, %ge3A_127 : i32
      %convert_element_type3A_129 = arith.extui %ge3A_128 : i1 to i32
      %cond3A_130 = arith.constant 0 : i32
      %cond3A_131 = arith.cmpi ne, %convert_element_type3A_129, %cond3A_130 : i32
      scf.if %cond3A_131 {
        %dma_wait3A_307 = arith.constant 0 : i32
        %dma_wait3A_308 = arith.constant 0 : i32
        %dma_wait3A_309 = tpu.memref_slice %arg3[%dma_wait3A_307, %dma_wait3A_308] : memref<8192x1024xf32, #tpu.memory_space<hbm>> -> memref<8x1024xf32, #tpu.memory_space<hbm>>
        %dma_wait3A_310 = arith.constant 0 : i32
        %dma_wait3A_311 = arith.constant 0 : i32
        %dma_wait3A_312 = tpu.memref_slice %arg3[%dma_wait3A_310, %dma_wait3A_311] : memref<8192x1024xf32, #tpu.memory_space<hbm>> -> memref<8x1024xf32, #tpu.memory_space<hbm>>
        tpu.wait_dma2 semaphore(%arg22 : memref<!tpu.dma_semaphore, #tpu.memory_space<semaphore_mem>>) src(%dma_wait3A_312 : memref<8x1024xf32, #tpu.memory_space<hbm>>) dst(%arg6 : memref<8x1024xf32, #tpu.memory_space<vmem>>)
      } else {
      }
      %add3A_132 = arith.constant 6 : i32
      %add3A_133 = arith.addi %add3A_124, %add3A_132 : i32
      %lt3A_134 = arith.constant 128 : i32
      %lt3A_135 = arith.cmpi slt, %add3A_133, %lt3A_134 : i32
      %convert_element_type3A_136 = arith.extui %lt3A_135 : i1 to i32
      %cond3A_137 = arith.constant 0 : i32
      %cond3A_138 = arith.cmpi ne, %convert_element_type3A_136, %cond3A_137 : i32
      scf.if %cond3A_138 {
        %add3A_307 = arith.constant 6 : i32
        %add3A_308 = arith.addi %add3A_124, %add3A_307 : i32
        %dma_start3A_309 = arith.constant 0 : i32
        %dma_start3A_310 = tpu.memref_slice %arg5[%add3A_308, %dma_start3A_309] : memref<128x8xi32, #tpu.memory_space<vmem>> -> memref<1x8xi32, #tpu.memory_space<vmem>>
        %dma_start3A_311 = tpu.memref_squeeze %dma_start3A_310 : memref<1x8xi32, #tpu.memory_space<vmem>> -> memref<8xi32, #tpu.memory_space<vmem>>
        %dma_start3A_312 = arith.constant 0 : i32
        %dma_start3A_313 = arith.constant 0 : i32
        %dma_start3A_314 = tpu.memref_slice %arg3[%dma_start3A_312, %dma_start3A_313] : memref<8192x1024xf32, #tpu.memory_space<hbm>> -> memref<8192x1024xf32, #tpu.memory_space<hbm>>
        tpu.enqueue_indirect_dma source(%dma_start3A_314 : memref<8192x1024xf32, #tpu.memory_space<hbm>>) target(%arg6 : memref<8x1024xf32, #tpu.memory_space<vmem>>) offsets(%dma_start3A_311 : memref<8xi32, #tpu.memory_space<vmem>>) semaphore(%arg14 : memref<!tpu.dma_semaphore, #tpu.memory_space<semaphore_mem>>)
      } else {
      }
      %dma_wait3A_139 = arith.constant 0 : i32
      %dma_wait3A_140 = arith.constant 0 : i32
      %dma_wait3A_141 = tpu.memref_slice %arg3[%dma_wait3A_139, %dma_wait3A_140] : memref<8192x1024xf32, #tpu.memory_space<hbm>> -> memref<8x1024xf32, #tpu.memory_space<hbm>>
      %dma_wait3A_142 = arith.constant 0 : i32
      %dma_wait3A_143 = arith.constant 0 : i32
      %dma_wait3A_144 = tpu.memref_slice %arg3[%dma_wait3A_142, %dma_wait3A_143] : memref<8192x1024xf32, #tpu.memory_space<hbm>> -> memref<8x1024xf32, #tpu.memory_space<hbm>>
      tpu.wait_dma2 semaphore(%arg16 : memref<!tpu.dma_semaphore, #tpu.memory_space<semaphore_mem>>) src(%dma_wait3A_144 : memref<8x1024xf32, #tpu.memory_space<hbm>>) dst(%arg8 : memref<8x1024xf32, #tpu.memory_space<vmem>>)
      %mul3A_145 = arith.constant 8 : i32
      %mul3A_146 = arith.muli %add3A_124, %mul3A_145 : i32
      %add3A_147 = arith.addi %mul3A_2, %mul3A_146 : i32
      %dma_start3A_148 = arith.constant 0 : i32
      %dma_start3A_149 = tpu.memref_slice %arg4[%add3A_147, %dma_start3A_148] : memref<32768x1024xf32, #tpu.memory_space<hbm>> -> memref<8x1024xf32, #tpu.memory_space<hbm>>
      %dma_start3A_150 = arith.constant 0 : i32
      %dma_start3A_151 = tpu.memref_slice %arg4[%add3A_147, %dma_start3A_150] : memref<32768x1024xf32, #tpu.memory_space<hbm>> -> memref<8x1024xf32, #tpu.memory_space<hbm>>
      tpu.enqueue_dma source(%arg8 : memref<8x1024xf32, #tpu.memory_space<vmem>>) target(%dma_start3A_151 : memref<8x1024xf32, #tpu.memory_space<hbm>>) target_semaphore(%arg24 : memref<!tpu.dma_semaphore, #tpu.memory_space<semaphore_mem>>)
      %mul3A_152 = arith.constant 8 : i32
      %mul3A_153 = arith.muli %scan3A_62, %mul3A_152 : i32
      %add3A_154 = arith.constant 3 : i32
      %add3A_155 = arith.addi %mul3A_153, %add3A_154 : i32
      %add3A_156 = arith.constant 6 : i32
      %add3A_157 = arith.addi %add3A_155, %add3A_156 : i32
      %ge3A_158 = arith.constant 8 : i32
      %ge3A_159 = arith.cmpi sge, %add3A_157, %ge3A_158 : i32
      %convert_element_type3A_160 = arith.extui %ge3A_159 : i1 to i32
      %cond3A_161 = arith.constant 0 : i32
      %cond3A_162 = arith.cmpi ne, %convert_element_type3A_160, %cond3A_161 : i32
      scf.if %cond3A_162 {
        %dma_wait3A_307 = arith.constant 0 : i32
        %dma_wait3A_308 = arith.constant 0 : i32
        %dma_wait3A_309 = tpu.memref_slice %arg3[%dma_wait3A_307, %dma_wait3A_308] : memref<8192x1024xf32, #tpu.memory_space<hbm>> -> memref<8x1024xf32, #tpu.memory_space<hbm>>
        %dma_wait3A_310 = arith.constant 0 : i32
        %dma_wait3A_311 = arith.constant 0 : i32
        %dma_wait3A_312 = tpu.memref_slice %arg3[%dma_wait3A_310, %dma_wait3A_311] : memref<8192x1024xf32, #tpu.memory_space<hbm>> -> memref<8x1024xf32, #tpu.memory_space<hbm>>
        tpu.wait_dma2 semaphore(%arg23 : memref<!tpu.dma_semaphore, #tpu.memory_space<semaphore_mem>>) src(%dma_wait3A_312 : memref<8x1024xf32, #tpu.memory_space<hbm>>) dst(%arg7 : memref<8x1024xf32, #tpu.memory_space<vmem>>)
      } else {
      }
      %add3A_163 = arith.constant 6 : i32
      %add3A_164 = arith.addi %add3A_155, %add3A_163 : i32
      %lt3A_165 = arith.constant 128 : i32
      %lt3A_166 = arith.cmpi slt, %add3A_164, %lt3A_165 : i32
      %convert_element_type3A_167 = arith.extui %lt3A_166 : i1 to i32
      %cond3A_168 = arith.constant 0 : i32
      %cond3A_169 = arith.cmpi ne, %convert_element_type3A_167, %cond3A_168 : i32
      scf.if %cond3A_169 {
        %add3A_307 = arith.constant 6 : i32
        %add3A_308 = arith.addi %add3A_155, %add3A_307 : i32
        %dma_start3A_309 = arith.constant 0 : i32
        %dma_start3A_310 = tpu.memref_slice %arg5[%add3A_308, %dma_start3A_309] : memref<128x8xi32, #tpu.memory_space<vmem>> -> memref<1x8xi32, #tpu.memory_space<vmem>>
        %dma_start3A_311 = tpu.memref_squeeze %dma_start3A_310 : memref<1x8xi32, #tpu.memory_space<vmem>> -> memref<8xi32, #tpu.memory_space<vmem>>
        %dma_start3A_312 = arith.constant 0 : i32
        %dma_start3A_313 = arith.constant 0 : i32
        %dma_start3A_314 = tpu.memref_slice %arg3[%dma_start3A_312, %dma_start3A_313] : memref<8192x1024xf32, #tpu.memory_space<hbm>> -> memref<8192x1024xf32, #tpu.memory_space<hbm>>
        tpu.enqueue_indirect_dma source(%dma_start3A_314 : memref<8192x1024xf32, #tpu.memory_space<hbm>>) target(%arg7 : memref<8x1024xf32, #tpu.memory_space<vmem>>) offsets(%dma_start3A_311 : memref<8xi32, #tpu.memory_space<vmem>>) semaphore(%arg15 : memref<!tpu.dma_semaphore, #tpu.memory_space<semaphore_mem>>)
      } else {
      }
      %dma_wait3A_170 = arith.constant 0 : i32
      %dma_wait3A_171 = arith.constant 0 : i32
      %dma_wait3A_172 = tpu.memref_slice %arg3[%dma_wait3A_170, %dma_wait3A_171] : memref<8192x1024xf32, #tpu.memory_space<hbm>> -> memref<8x1024xf32, #tpu.memory_space<hbm>>
      %dma_wait3A_173 = arith.constant 0 : i32
      %dma_wait3A_174 = arith.constant 0 : i32
      %dma_wait3A_175 = tpu.memref_slice %arg3[%dma_wait3A_173, %dma_wait3A_174] : memref<8192x1024xf32, #tpu.memory_space<hbm>> -> memref<8x1024xf32, #tpu.memory_space<hbm>>
      tpu.wait_dma2 semaphore(%arg17 : memref<!tpu.dma_semaphore, #tpu.memory_space<semaphore_mem>>) src(%dma_wait3A_175 : memref<8x1024xf32, #tpu.memory_space<hbm>>) dst(%arg9 : memref<8x1024xf32, #tpu.memory_space<vmem>>)
      %mul3A_176 = arith.constant 8 : i32
      %mul3A_177 = arith.muli %add3A_155, %mul3A_176 : i32
      %add3A_178 = arith.addi %mul3A_2, %mul3A_177 : i32
      %dma_start3A_179 = arith.constant 0 : i32
      %dma_start3A_180 = tpu.memref_slice %arg4[%add3A_178, %dma_start3A_179] : memref<32768x1024xf32, #tpu.memory_space<hbm>> -> memref<8x1024xf32, #tpu.memory_space<hbm>>
      %dma_start3A_181 = arith.constant 0 : i32
      %dma_start3A_182 = tpu.memref_slice %arg4[%add3A_178, %dma_start3A_181] : memref<32768x1024xf32, #tpu.memory_space<hbm>> -> memref<8x1024xf32, #tpu.memory_space<hbm>>
      tpu.enqueue_dma source(%arg9 : memref<8x1024xf32, #tpu.memory_space<vmem>>) target(%dma_start3A_182 : memref<8x1024xf32, #tpu.memory_space<hbm>>) target_semaphore(%arg25 : memref<!tpu.dma_semaphore, #tpu.memory_space<semaphore_mem>>)
      %mul3A_183 = arith.constant 8 : i32
      %mul3A_184 = arith.muli %scan3A_62, %mul3A_183 : i32
      %add3A_185 = arith.constant 4 : i32
      %add3A_186 = arith.addi %mul3A_184, %add3A_185 : i32
      %add3A_187 = arith.constant 6 : i32
      %add3A_188 = arith.addi %add3A_186, %add3A_187 : i32
      %ge3A_189 = arith.constant 8 : i32
      %ge3A_190 = arith.cmpi sge, %add3A_188, %ge3A_189 : i32
      %convert_element_type3A_191 = arith.extui %ge3A_190 : i1 to i32
      %cond3A_192 = arith.constant 0 : i32
      %cond3A_193 = arith.cmpi ne, %convert_element_type3A_191, %cond3A_192 : i32
      scf.if %cond3A_193 {
        %dma_wait3A_307 = arith.constant 0 : i32
        %dma_wait3A_308 = arith.constant 0 : i32
        %dma_wait3A_309 = tpu.memref_slice %arg3[%dma_wait3A_307, %dma_wait3A_308] : memref<8192x1024xf32, #tpu.memory_space<hbm>> -> memref<8x1024xf32, #tpu.memory_space<hbm>>
        %dma_wait3A_310 = arith.constant 0 : i32
        %dma_wait3A_311 = arith.constant 0 : i32
        %dma_wait3A_312 = tpu.memref_slice %arg3[%dma_wait3A_310, %dma_wait3A_311] : memref<8192x1024xf32, #tpu.memory_space<hbm>> -> memref<8x1024xf32, #tpu.memory_space<hbm>>
        tpu.wait_dma2 semaphore(%arg24 : memref<!tpu.dma_semaphore, #tpu.memory_space<semaphore_mem>>) src(%dma_wait3A_312 : memref<8x1024xf32, #tpu.memory_space<hbm>>) dst(%arg8 : memref<8x1024xf32, #tpu.memory_space<vmem>>)
      } else {
      }
      %add3A_194 = arith.constant 6 : i32
      %add3A_195 = arith.addi %add3A_186, %add3A_194 : i32
      %lt3A_196 = arith.constant 128 : i32
      %lt3A_197 = arith.cmpi slt, %add3A_195, %lt3A_196 : i32
      %convert_element_type3A_198 = arith.extui %lt3A_197 : i1 to i32
      %cond3A_199 = arith.constant 0 : i32
      %cond3A_200 = arith.cmpi ne, %convert_element_type3A_198, %cond3A_199 : i32
      scf.if %cond3A_200 {
        %add3A_307 = arith.constant 6 : i32
        %add3A_308 = arith.addi %add3A_186, %add3A_307 : i32
        %dma_start3A_309 = arith.constant 0 : i32
        %dma_start3A_310 = tpu.memref_slice %arg5[%add3A_308, %dma_start3A_309] : memref<128x8xi32, #tpu.memory_space<vmem>> -> memref<1x8xi32, #tpu.memory_space<vmem>>
        %dma_start3A_311 = tpu.memref_squeeze %dma_start3A_310 : memref<1x8xi32, #tpu.memory_space<vmem>> -> memref<8xi32, #tpu.memory_space<vmem>>
        %dma_start3A_312 = arith.constant 0 : i32
        %dma_start3A_313 = arith.constant 0 : i32
        %dma_start3A_314 = tpu.memref_slice %arg3[%dma_start3A_312, %dma_start3A_313] : memref<8192x1024xf32, #tpu.memory_space<hbm>> -> memref<8192x1024xf32, #tpu.memory_space<hbm>>
        tpu.enqueue_indirect_dma source(%dma_start3A_314 : memref<8192x1024xf32, #tpu.memory_space<hbm>>) target(%arg8 : memref<8x1024xf32, #tpu.memory_space<vmem>>) offsets(%dma_start3A_311 : memref<8xi32, #tpu.memory_space<vmem>>) semaphore(%arg16 : memref<!tpu.dma_semaphore, #tpu.memory_space<semaphore_mem>>)
      } else {
      }
      %dma_wait3A_201 = arith.constant 0 : i32
      %dma_wait3A_202 = arith.constant 0 : i32
      %dma_wait3A_203 = tpu.memref_slice %arg3[%dma_wait3A_201, %dma_wait3A_202] : memref<8192x1024xf32, #tpu.memory_space<hbm>> -> memref<8x1024xf32, #tpu.memory_space<hbm>>
      %dma_wait3A_204 = arith.constant 0 : i32
      %dma_wait3A_205 = arith.constant 0 : i32
      %dma_wait3A_206 = tpu.memref_slice %arg3[%dma_wait3A_204, %dma_wait3A_205] : memref<8192x1024xf32, #tpu.memory_space<hbm>> -> memref<8x1024xf32, #tpu.memory_space<hbm>>
      tpu.wait_dma2 semaphore(%arg18 : memref<!tpu.dma_semaphore, #tpu.memory_space<semaphore_mem>>) src(%dma_wait3A_206 : memref<8x1024xf32, #tpu.memory_space<hbm>>) dst(%arg10 : memref<8x1024xf32, #tpu.memory_space<vmem>>)
      %mul3A_207 = arith.constant 8 : i32
      %mul3A_208 = arith.muli %add3A_186, %mul3A_207 : i32
      %add3A_209 = arith.addi %mul3A_2, %mul3A_208 : i32
      %dma_start3A_210 = arith.constant 0 : i32
      %dma_start3A_211 = tpu.memref_slice %arg4[%add3A_209, %dma_start3A_210] : memref<32768x1024xf32, #tpu.memory_space<hbm>> -> memref<8x1024xf32, #tpu.memory_space<hbm>>
      %dma_start3A_212 = arith.constant 0 : i32
      %dma_start3A_213 = tpu.memref_slice %arg4[%add3A_209, %dma_start3A_212] : memref<32768x1024xf32, #tpu.memory_space<hbm>> -> memref<8x1024xf32, #tpu.memory_space<hbm>>
      tpu.enqueue_dma source(%arg10 : memref<8x1024xf32, #tpu.memory_space<vmem>>) target(%dma_start3A_213 : memref<8x1024xf32, #tpu.memory_space<hbm>>) target_semaphore(%arg26 : memref<!tpu.dma_semaphore, #tpu.memory_space<semaphore_mem>>)
      %mul3A_214 = arith.constant 8 : i32
      %mul3A_215 = arith.muli %scan3A_62, %mul3A_214 : i32
      %add3A_216 = arith.constant 5 : i32
      %add3A_217 = arith.addi %mul3A_215, %add3A_216 : i32
      %add3A_218 = arith.constant 6 : i32
      %add3A_219 = arith.addi %add3A_217, %add3A_218 : i32
      %ge3A_220 = arith.constant 8 : i32
      %ge3A_221 = arith.cmpi sge, %add3A_219, %ge3A_220 : i32
      %convert_element_type3A_222 = arith.extui %ge3A_221 : i1 to i32
      %cond3A_223 = arith.constant 0 : i32
      %cond3A_224 = arith.cmpi ne, %convert_element_type3A_222, %cond3A_223 : i32
      scf.if %cond3A_224 {
        %dma_wait3A_307 = arith.constant 0 : i32
        %dma_wait3A_308 = arith.constant 0 : i32
        %dma_wait3A_309 = tpu.memref_slice %arg3[%dma_wait3A_307, %dma_wait3A_308] : memref<8192x1024xf32, #tpu.memory_space<hbm>> -> memref<8x1024xf32, #tpu.memory_space<hbm>>
        %dma_wait3A_310 = arith.constant 0 : i32
        %dma_wait3A_311 = arith.constant 0 : i32
        %dma_wait3A_312 = tpu.memref_slice %arg3[%dma_wait3A_310, %dma_wait3A_311] : memref<8192x1024xf32, #tpu.memory_space<hbm>> -> memref<8x1024xf32, #tpu.memory_space<hbm>>
        tpu.wait_dma2 semaphore(%arg25 : memref<!tpu.dma_semaphore, #tpu.memory_space<semaphore_mem>>) src(%dma_wait3A_312 : memref<8x1024xf32, #tpu.memory_space<hbm>>) dst(%arg9 : memref<8x1024xf32, #tpu.memory_space<vmem>>)
      } else {
      }
      %add3A_225 = arith.constant 6 : i32
      %add3A_226 = arith.addi %add3A_217, %add3A_225 : i32
      %lt3A_227 = arith.constant 128 : i32
      %lt3A_228 = arith.cmpi slt, %add3A_226, %lt3A_227 : i32
      %convert_element_type3A_229 = arith.extui %lt3A_228 : i1 to i32
      %cond3A_230 = arith.constant 0 : i32
      %cond3A_231 = arith.cmpi ne, %convert_element_type3A_229, %cond3A_230 : i32
      scf.if %cond3A_231 {
        %add3A_307 = arith.constant 6 : i32
        %add3A_308 = arith.addi %add3A_217, %add3A_307 : i32
        %dma_start3A_309 = arith.constant 0 : i32
        %dma_start3A_310 = tpu.memref_slice %arg5[%add3A_308, %dma_start3A_309] : memref<128x8xi32, #tpu.memory_space<vmem>> -> memref<1x8xi32, #tpu.memory_space<vmem>>
        %dma_start3A_311 = tpu.memref_squeeze %dma_start3A_310 : memref<1x8xi32, #tpu.memory_space<vmem>> -> memref<8xi32, #tpu.memory_space<vmem>>
        %dma_start3A_312 = arith.constant 0 : i32
        %dma_start3A_313 = arith.constant 0 : i32
        %dma_start3A_314 = tpu.memref_slice %arg3[%dma_start3A_312, %dma_start3A_313] : memref<8192x1024xf32, #tpu.memory_space<hbm>> -> memref<8192x1024xf32, #tpu.memory_space<hbm>>
        tpu.enqueue_indirect_dma source(%dma_start3A_314 : memref<8192x1024xf32, #tpu.memory_space<hbm>>) target(%arg9 : memref<8x1024xf32, #tpu.memory_space<vmem>>) offsets(%dma_start3A_311 : memref<8xi32, #tpu.memory_space<vmem>>) semaphore(%arg17 : memref<!tpu.dma_semaphore, #tpu.memory_space<semaphore_mem>>)
      } else {
      }
      %dma_wait3A_232 = arith.constant 0 : i32
      %dma_wait3A_233 = arith.constant 0 : i32
      %dma_wait3A_234 = tpu.memref_slice %arg3[%dma_wait3A_232, %dma_wait3A_233] : memref<8192x1024xf32, #tpu.memory_space<hbm>> -> memref<8x1024xf32, #tpu.memory_space<hbm>>
      %dma_wait3A_235 = arith.constant 0 : i32
      %dma_wait3A_236 = arith.constant 0 : i32
      %dma_wait3A_237 = tpu.memref_slice %arg3[%dma_wait3A_235, %dma_wait3A_236] : memref<8192x1024xf32, #tpu.memory_space<hbm>> -> memref<8x1024xf32, #tpu.memory_space<hbm>>
      tpu.wait_dma2 semaphore(%arg19 : memref<!tpu.dma_semaphore, #tpu.memory_space<semaphore_mem>>) src(%dma_wait3A_237 : memref<8x1024xf32, #tpu.memory_space<hbm>>) dst(%arg11 : memref<8x1024xf32, #tpu.memory_space<vmem>>)
      %mul3A_238 = arith.constant 8 : i32
      %mul3A_239 = arith.muli %add3A_217, %mul3A_238 : i32
      %add3A_240 = arith.addi %mul3A_2, %mul3A_239 : i32
      %dma_start3A_241 = arith.constant 0 : i32
      %dma_start3A_242 = tpu.memref_slice %arg4[%add3A_240, %dma_start3A_241] : memref<32768x1024xf32, #tpu.memory_space<hbm>> -> memref<8x1024xf32, #tpu.memory_space<hbm>>
      %dma_start3A_243 = arith.constant 0 : i32
      %dma_start3A_244 = tpu.memref_slice %arg4[%add3A_240, %dma_start3A_243] : memref<32768x1024xf32, #tpu.memory_space<hbm>> -> memref<8x1024xf32, #tpu.memory_space<hbm>>
      tpu.enqueue_dma source(%arg11 : memref<8x1024xf32, #tpu.memory_space<vmem>>) target(%dma_start3A_244 : memref<8x1024xf32, #tpu.memory_space<hbm>>) target_semaphore(%arg27 : memref<!tpu.dma_semaphore, #tpu.memory_space<semaphore_mem>>)
      %mul3A_245 = arith.constant 8 : i32
      %mul3A_246 = arith.muli %scan3A_62, %mul3A_245 : i32
      %add3A_247 = arith.constant 6 : i32
      %add3A_248 = arith.addi %mul3A_246, %add3A_247 : i32
      %add3A_249 = arith.constant 6 : i32
      %add3A_250 = arith.addi %add3A_248, %add3A_249 : i32
      %ge3A_251 = arith.constant 8 : i32
      %ge3A_252 = arith.cmpi sge, %add3A_250, %ge3A_251 : i32
      %convert_element_type3A_253 = arith.extui %ge3A_252 : i1 to i32
      %cond3A_254 = arith.constant 0 : i32
      %cond3A_255 = arith.cmpi ne, %convert_element_type3A_253, %cond3A_254 : i32
      scf.if %cond3A_255 {
        %dma_wait3A_307 = arith.constant 0 : i32
        %dma_wait3A_308 = arith.constant 0 : i32
        %dma_wait3A_309 = tpu.memref_slice %arg3[%dma_wait3A_307, %dma_wait3A_308] : memref<8192x1024xf32, #tpu.memory_space<hbm>> -> memref<8x1024xf32, #tpu.memory_space<hbm>>
        %dma_wait3A_310 = arith.constant 0 : i32
        %dma_wait3A_311 = arith.constant 0 : i32
        %dma_wait3A_312 = tpu.memref_slice %arg3[%dma_wait3A_310, %dma_wait3A_311] : memref<8192x1024xf32, #tpu.memory_space<hbm>> -> memref<8x1024xf32, #tpu.memory_space<hbm>>
        tpu.wait_dma2 semaphore(%arg26 : memref<!tpu.dma_semaphore, #tpu.memory_space<semaphore_mem>>) src(%dma_wait3A_312 : memref<8x1024xf32, #tpu.memory_space<hbm>>) dst(%arg10 : memref<8x1024xf32, #tpu.memory_space<vmem>>)
      } else {
      }
      %add3A_256 = arith.constant 6 : i32
      %add3A_257 = arith.addi %add3A_248, %add3A_256 : i32
      %lt3A_258 = arith.constant 128 : i32
      %lt3A_259 = arith.cmpi slt, %add3A_257, %lt3A_258 : i32
      %convert_element_type3A_260 = arith.extui %lt3A_259 : i1 to i32
      %cond3A_261 = arith.constant 0 : i32
      %cond3A_262 = arith.cmpi ne, %convert_element_type3A_260, %cond3A_261 : i32
      scf.if %cond3A_262 {
        %add3A_307 = arith.constant 6 : i32
        %add3A_308 = arith.addi %add3A_248, %add3A_307 : i32
        %dma_start3A_309 = arith.constant 0 : i32
        %dma_start3A_310 = tpu.memref_slice %arg5[%add3A_308, %dma_start3A_309] : memref<128x8xi32, #tpu.memory_space<vmem>> -> memref<1x8xi32, #tpu.memory_space<vmem>>
        %dma_start3A_311 = tpu.memref_squeeze %dma_start3A_310 : memref<1x8xi32, #tpu.memory_space<vmem>> -> memref<8xi32, #tpu.memory_space<vmem>>
        %dma_start3A_312 = arith.constant 0 : i32
        %dma_start3A_313 = arith.constant 0 : i32
        %dma_start3A_314 = tpu.memref_slice %arg3[%dma_start3A_312, %dma_start3A_313] : memref<8192x1024xf32, #tpu.memory_space<hbm>> -> memref<8192x1024xf32, #tpu.memory_space<hbm>>
        tpu.enqueue_indirect_dma source(%dma_start3A_314 : memref<8192x1024xf32, #tpu.memory_space<hbm>>) target(%arg10 : memref<8x1024xf32, #tpu.memory_space<vmem>>) offsets(%dma_start3A_311 : memref<8xi32, #tpu.memory_space<vmem>>) semaphore(%arg18 : memref<!tpu.dma_semaphore, #tpu.memory_space<semaphore_mem>>)
      } else {
      }
      %dma_wait3A_263 = arith.constant 0 : i32
      %dma_wait3A_264 = arith.constant 0 : i32
      %dma_wait3A_265 = tpu.memref_slice %arg3[%dma_wait3A_263, %dma_wait3A_264] : memref<8192x1024xf32, #tpu.memory_space<hbm>> -> memref<8x1024xf32, #tpu.memory_space<hbm>>
      %dma_wait3A_266 = arith.constant 0 : i32
      %dma_wait3A_267 = arith.constant 0 : i32
      %dma_wait3A_268 = tpu.memref_slice %arg3[%dma_wait3A_266, %dma_wait3A_267] : memref<8192x1024xf32, #tpu.memory_space<hbm>> -> memref<8x1024xf32, #tpu.memory_space<hbm>>
      tpu.wait_dma2 semaphore(%arg20 : memref<!tpu.dma_semaphore, #tpu.memory_space<semaphore_mem>>) src(%dma_wait3A_268 : memref<8x1024xf32, #tpu.memory_space<hbm>>) dst(%arg12 : memref<8x1024xf32, #tpu.memory_space<vmem>>)
      %mul3A_269 = arith.constant 8 : i32
      %mul3A_270 = arith.muli %add3A_248, %mul3A_269 : i32
      %add3A_271 = arith.addi %mul3A_2, %mul3A_270 : i32
      %dma_start3A_272 = arith.constant 0 : i32
      %dma_start3A_273 = tpu.memref_slice %arg4[%add3A_271, %dma_start3A_272] : memref<32768x1024xf32, #tpu.memory_space<hbm>> -> memref<8x1024xf32, #tpu.memory_space<hbm>>
      %dma_start3A_274 = arith.constant 0 : i32
      %dma_start3A_275 = tpu.memref_slice %arg4[%add3A_271, %dma_start3A_274] : memref<32768x1024xf32, #tpu.memory_space<hbm>> -> memref<8x1024xf32, #tpu.memory_space<hbm>>
      tpu.enqueue_dma source(%arg12 : memref<8x1024xf32, #tpu.memory_space<vmem>>) target(%dma_start3A_275 : memref<8x1024xf32, #tpu.memory_space<hbm>>) target_semaphore(%arg28 : memref<!tpu.dma_semaphore, #tpu.memory_space<semaphore_mem>>)
      %mul3A_276 = arith.constant 8 : i32
      %mul3A_277 = arith.muli %scan3A_62, %mul3A_276 : i32
      %add3A_278 = arith.constant 7 : i32
      %add3A_279 = arith.addi %mul3A_277, %add3A_278 : i32
      %add3A_280 = arith.constant 6 : i32
      %add3A_281 = arith.addi %add3A_279, %add3A_280 : i32
      %ge3A_282 = arith.constant 8 : i32
      %ge3A_283 = arith.cmpi sge, %add3A_281, %ge3A_282 : i32
      %convert_element_type3A_284 = arith.extui %ge3A_283 : i1 to i32
      %cond3A_285 = arith.constant 0 : i32
      %cond3A_286 = arith.cmpi ne, %convert_element_type3A_284, %cond3A_285 : i32
      scf.if %cond3A_286 {
        %dma_wait3A_307 = arith.constant 0 : i32
        %dma_wait3A_308 = arith.constant 0 : i32
        %dma_wait3A_309 = tpu.memref_slice %arg3[%dma_wait3A_307, %dma_wait3A_308] : memref<8192x1024xf32, #tpu.memory_space<hbm>> -> memref<8x1024xf32, #tpu.memory_space<hbm>>
        %dma_wait3A_310 = arith.constant 0 : i32
        %dma_wait3A_311 = arith.constant 0 : i32
        %dma_wait3A_312 = tpu.memref_slice %arg3[%dma_wait3A_310, %dma_wait3A_311] : memref<8192x1024xf32, #tpu.memory_space<hbm>> -> memref<8x1024xf32, #tpu.memory_space<hbm>>
        tpu.wait_dma2 semaphore(%arg27 : memref<!tpu.dma_semaphore, #tpu.memory_space<semaphore_mem>>) src(%dma_wait3A_312 : memref<8x1024xf32, #tpu.memory_space<hbm>>) dst(%arg11 : memref<8x1024xf32, #tpu.memory_space<vmem>>)
      } else {
      }
      %add3A_287 = arith.constant 6 : i32
      %add3A_288 = arith.addi %add3A_279, %add3A_287 : i32
      %lt3A_289 = arith.constant 128 : i32
      %lt3A_290 = arith.cmpi slt, %add3A_288, %lt3A_289 : i32
      %convert_element_type3A_291 = arith.extui %lt3A_290 : i1 to i32
      %cond3A_292 = arith.constant 0 : i32
      %cond3A_293 = arith.cmpi ne, %convert_element_type3A_291, %cond3A_292 : i32
      scf.if %cond3A_293 {
        %add3A_307 = arith.constant 6 : i32
        %add3A_308 = arith.addi %add3A_279, %add3A_307 : i32
        %dma_start3A_309 = arith.constant 0 : i32
        %dma_start3A_310 = tpu.memref_slice %arg5[%add3A_308, %dma_start3A_309] : memref<128x8xi32, #tpu.memory_space<vmem>> -> memref<1x8xi32, #tpu.memory_space<vmem>>
        %dma_start3A_311 = tpu.memref_squeeze %dma_start3A_310 : memref<1x8xi32, #tpu.memory_space<vmem>> -> memref<8xi32, #tpu.memory_space<vmem>>
        %dma_start3A_312 = arith.constant 0 : i32
        %dma_start3A_313 = arith.constant 0 : i32
        %dma_start3A_314 = tpu.memref_slice %arg3[%dma_start3A_312, %dma_start3A_313] : memref<8192x1024xf32, #tpu.memory_space<hbm>> -> memref<8192x1024xf32, #tpu.memory_space<hbm>>
        tpu.enqueue_indirect_dma source(%dma_start3A_314 : memref<8192x1024xf32, #tpu.memory_space<hbm>>) target(%arg11 : memref<8x1024xf32, #tpu.memory_space<vmem>>) offsets(%dma_start3A_311 : memref<8xi32, #tpu.memory_space<vmem>>) semaphore(%arg19 : memref<!tpu.dma_semaphore, #tpu.memory_space<semaphore_mem>>)
      } else {
      }
      %dma_wait3A_294 = arith.constant 0 : i32
      %dma_wait3A_295 = arith.constant 0 : i32
      %dma_wait3A_296 = tpu.memref_slice %arg3[%dma_wait3A_294, %dma_wait3A_295] : memref<8192x1024xf32, #tpu.memory_space<hbm>> -> memref<8x1024xf32, #tpu.memory_space<hbm>>
      %dma_wait3A_297 = arith.constant 0 : i32
      %dma_wait3A_298 = arith.constant 0 : i32
      %dma_wait3A_299 = tpu.memref_slice %arg3[%dma_wait3A_297, %dma_wait3A_298] : memref<8192x1024xf32, #tpu.memory_space<hbm>> -> memref<8x1024xf32, #tpu.memory_space<hbm>>
      tpu.wait_dma2 semaphore(%arg21 : memref<!tpu.dma_semaphore, #tpu.memory_space<semaphore_mem>>) src(%dma_wait3A_299 : memref<8x1024xf32, #tpu.memory_space<hbm>>) dst(%arg13 : memref<8x1024xf32, #tpu.memory_space<vmem>>)
      %mul3A_300 = arith.constant 8 : i32
      %mul3A_301 = arith.muli %add3A_279, %mul3A_300 : i32
      %add3A_302 = arith.addi %mul3A_2, %mul3A_301 : i32
      %dma_start3A_303 = arith.constant 0 : i32
      %dma_start3A_304 = tpu.memref_slice %arg4[%add3A_302, %dma_start3A_303] : memref<32768x1024xf32, #tpu.memory_space<hbm>> -> memref<8x1024xf32, #tpu.memory_space<hbm>>
      %dma_start3A_305 = arith.constant 0 : i32
      %dma_start3A_306 = tpu.memref_slice %arg4[%add3A_302, %dma_start3A_305] : memref<32768x1024xf32, #tpu.memory_space<hbm>> -> memref<8x1024xf32, #tpu.memory_space<hbm>>
      tpu.enqueue_dma source(%arg13 : memref<8x1024xf32, #tpu.memory_space<vmem>>) target(%dma_start3A_306 : memref<8x1024xf32, #tpu.memory_space<hbm>>) target_semaphore(%arg29 : memref<!tpu.dma_semaphore, #tpu.memory_space<semaphore_mem>>)
    }
    %scan3A_50 = arith.constant 16 : i32
    %dma_wait3A = arith.constant 0 : i32
    %dma_wait3A_51 = arith.constant 0 : i32
    %dma_wait3A_52 = tpu.memref_slice %arg3[%dma_wait3A, %dma_wait3A_51] : memref<8192x1024xf32, #tpu.memory_space<hbm>> -> memref<8x1024xf32, #tpu.memory_space<hbm>>
    %dma_wait3A_53 = arith.constant 0 : i32
    %dma_wait3A_54 = arith.constant 0 : i32
    %dma_wait3A_55 = tpu.memref_slice %arg3[%dma_wait3A_53, %dma_wait3A_54] : memref<8192x1024xf32, #tpu.memory_space<hbm>> -> memref<8x1024xf32, #tpu.memory_space<hbm>>
    tpu.wait_dma2 semaphore(%arg28 : memref<!tpu.dma_semaphore, #tpu.memory_space<semaphore_mem>>) src(%dma_wait3A_55 : memref<8x1024xf32, #tpu.memory_space<hbm>>) dst(%arg12 : memref<8x1024xf32, #tpu.memory_space<vmem>>)
    %dma_wait3A_56 = arith.constant 0 : i32
    %dma_wait3A_57 = arith.constant 0 : i32
    %dma_wait3A_58 = tpu.memref_slice %arg3[%dma_wait3A_56, %dma_wait3A_57] : memref<8192x1024xf32, #tpu.memory_space<hbm>> -> memref<8x1024xf32, #tpu.memory_space<hbm>>
    %dma_wait3A_59 = arith.constant 0 : i32
    %dma_wait3A_60 = arith.constant 0 : i32
    %dma_wait3A_61 = tpu.memref_slice %arg3[%dma_wait3A_59, %dma_wait3A_60] : memref<8192x1024xf32, #tpu.memory_space<hbm>> -> memref<8x1024xf32, #tpu.memory_space<hbm>>
    tpu.wait_dma2 semaphore(%arg29 : memref<!tpu.dma_semaphore, #tpu.memory_space<semaphore_mem>>) src(%dma_wait3A_61 : memref<8x1024xf32, #tpu.memory_space<hbm>>) dst(%arg13 : memref<8x1024xf32, #tpu.memory_space<vmem>>)
    return
  }
}

</mosaic_0001>

<sc_bundles>
// kernel: kernel.3.cloned.1.call-start
scs
__scs_entry_jumppad:
0x0: {  	(pc) =	sbr.rel $0x88, $3  }
0x1: {  	(tag) =	ssettag $0x0;
	lr =	simm.s32 $0x1  }
0x2: {  	[smem:$0x3F9F] =	sst lr;
	_ =	strace $0xD0000000  }
0x3: {  	_ = 	snop  }
0x4: {  	_ = 	snop  }
0x5: {  	_ = 	snop  }
0x6: {  	_ = 	snop  }
0x7: {  	_ = 	snop  }
__scs_overlays_trampoline_lowered:
0x8: {  	[smem:$0x3FAE] =	sst s0  }
0x9: {  	[smem:$0x3FAF] =	sst s1  }
0xa: {  	[smem:$0x3FB0] =	sst s2  }
0xb: {  	[smem:$0x3FB1] =	sst s3  }
0xc: {  	[smem:$0x3FB2] =	sst s4  }
0xd: {  	[smem:$0x3FB3] =	sst s5  }
0xe: {  	[smem:$0x3FB4] =	sst s6  }
0xf: {  	[smem:$0x3FB5] =	sst s7  }
0x10: {  	[smem:$0x3FB6] =	sst s8  }
0x11: {  	[smem:$0x3FB7] =	sst s9;
	s0 =	simm.s32 @!p0 $0x0  }
0x12: {  	s1 =	sld [smem:$0x3F9D];
	s0 =	simm.s32 @p0 $0x1  }
0x13: {  	[smem:$0x3FB8] =	sst s0;
	s0 =	simm.s32 @!p1 $0x0  }
0x14: {  	s2 =	sld [smem:$0x3F9C];
	s0 =	simm.s32 @p1 $0x1  }
0x15: {  	[smem:$0x3FB9] =	sst s0;
	s0 =	simm.s32 @!p2 $0x0  }
0x16: {  	s3 =	sld [smem:$0x3FDB];
	s0 =	simm.s32 @p2 $0x1  }
0x17: {  	s4 =	simm.s32 $0x1BF5;
	[smem:$0x3FBB] =	sst s0  }
0x18: {  	s0 =	sld [smem:$0x3F9E];
	_ =	swait.ge [sflag:s4], $0x0  }
0x19: {  	s7 =	sld [smem:$0x3F9F]  }
0x1a: {  	s8 =	sadd.s32 $0xFFFFE003, lr  }
0x1b: {  	s9 =	sadd.s32 $0xFFFFFEF7, lr;
	s5 =	simm.s32 $0xFFFFFFFF;
	p2 =	slt.u32 s8, $0xFFFFF086  }
0x1c: {  	p1 =	slt.u32 s9, $0xF7A;
	s5 =	simm.s32 @!p2 $0x0  }
0x1d: {  	s5 =	simm.s32 @p1 $0x1;
	p0 =	seq.s32 s7, s2  }
0x1e: {  	s7 =	smul.u32 @!p0 $0xF7A, s2;
	p2 =	seq.s32 @!p0 s5, $0x0  }
0x1f: {  	s9 =	smul.u32 $0xF7A, s1;
	s8 =	simm.s32 @!p0 $0x1BF5;
	p2 =	por !p2, p0  }
0x20: {  	[sflag:s8] =	ssyncset.s32 @!p0 $0xFFFFF086;
	s6 =	sadd.s32 @!p0 s3, s7;
	s7 =	simm.s32 @!p0 $0x108  }
0x21: {  	s3 =	sadd.s32 s3, s9;
	s6 =	sadd.s32 @!p0 $0x88, s6;
	s7 =	simm.s32 @p2 $0x1082  }
0x22: {  	[simem:s7], [sflag:s8] =	dma.local @!p0 [hbm:s6], $0xF7A  }
0x23: {  	s9 =	sor.u32 $0xD0000000, s2;
	s6 =	simm.s32 $0x108;
	_ =	swait.ge @!p0 [sflag:s8], $0x0  }
0x24: {  	s3 =	sadd.s32 $0x88, s3;
	s6 =	simm.s32 @!p1 $0x1082;
	[sflag:s4] =	ssyncset.s32 $0xFFFFF086  }
0x25: {  	[simem:s6], [sflag:s4] =	dma.local [hbm:s3], $0xF7A  }
0x26: {  	[smem:$0x3F9F] =	sst s1;
	(tag) =	ssettag s2;
	_ =	strace s9  }
0x27: {  	s1 =	sld [smem:$0x3FAF]  }
0x28: {  	s2 =	sld [smem:$0x3FB0]  }
0x29: {  	s4 =	sld [smem:$0x3FB2]  }
0x2a: {  	p0 =	seq.s32 s5, $0x0;
	s5 =	sld [smem:$0x3FB3]  }
0x2b: {  	s6 =	sld [smem:$0x3FB4]  }
0x2c: {  	s7 =	sld [smem:$0x3FB5]  }
0x2d: {  	s3 =	simm.s32 $0x108;
	s8 =	sld [smem:$0x3FB6]  }
0x2e: {  	s3 =	simm.s32 @!p0 $0x1082;
	s9 =	sld [smem:$0x3FB7]  }
0x2f: {  	lr =	sadd.s32 s0, s3;
	s0 =	sld [smem:$0x3FAE]  }
0x30: {  	s3 =	sld [smem:$0x3FB1]  }
0x31: {  	[smem:$0x3FBA] =	sst s10  }
0x32: {  	s10 =	sld [smem:$0x3FB8];
	_ =	sdelay $0x3  }
0x33: {  	p0 =	seq.s32 s10, $0x1;
	s10 =	sld [smem:$0x3FBA];
	_ =	sdelay $0x3  }
0x34: {  	[smem:$0x3FBA] =	sst s10  }
0x35: {  	s10 =	sld [smem:$0x3FB9];
	_ =	sdelay $0x3  }
0x36: {  	p1 =	seq.s32 s10, $0x1;
	s10 =	sld [smem:$0x3FBA];
	_ =	sdelay $0x3  }
0x37: {  	[smem:$0x3FBA] =	sst s10  }
0x38: {  	s10 =	sld [smem:$0x3FBB]  }
0x39: {  	_ = 	snop;
	(pc) =	sbr.ind lr, $3  }
0x3a: {  	_ = 	snop  }
0x3b: {  	_ = 	snop  }
0x3c: {  	p2 =	seq.s32 s10, $0x1;
	s10 =	sld [smem:$0x3FBA]  }
0x3d: {  	_ =	shalt  }
0x3e: {  	_ =	shalt  }
0x3f: {  	_ =	shalt  }
0x40: {  	_ =	shalt  }
0x41: {  	_ =	shalt  }
0x42: {  	_ =	shalt  }
0x43: {  	_ =	shalt  }
0x44: {  	_ =	shalt  }
0x45: {  	_ =	shalt  }
0x46: {  	_ =	shalt  }
0x47: {  	_ =	shalt  }
0x48: {  	_ =	shalt  }
0x49: {  	_ =	shalt  }
0x4a: {  	_ =	shalt  }
0x4b: {  	_ =	shalt  }
0x4c: {  	_ =	shalt  }
0x4d: {  	_ =	shalt  }
0x4e: {  	_ =	shalt  }
0x4f: {  	_ =	shalt  }
0x50: {  	_ =	shalt  }
0x51: {  	_ =	shalt  }
0x52: {  	_ =	shalt  }
0x53: {  	_ =	shalt  }
0x54: {  	_ =	shalt  }
0x55: {  	_ =	shalt  }
0x56: {  	_ =	shalt  }
0x57: {  	_ =	shalt  }
0x58: {  	_ =	shalt  }
0x59: {  	_ =	shalt  }
0x5a: {  	_ =	shalt  }
0x5b: {  	_ =	shalt  }
0x5c: {  	_ =	shalt  }
0x5d: {  	_ =	shalt  }
0x5e: {  	_ =	shalt  }
0x5f: {  	_ =	shalt  }
0x60: {  	_ =	shalt  }
0x61: {  	_ =	shalt  }
0x62: {  	_ =	shalt  }
0x63: {  	_ =	shalt  }
0x64: {  	_ =	shalt  }
0x65: {  	_ =	shalt  }
0x66: {  	_ =	shalt  }
0x67: {  	_ =	shalt  }
0x68: {  	_ =	shalt  }
0x69: {  	_ =	shalt  }
0x6a: {  	_ =	shalt  }
0x6b: {  	_ =	shalt  }
0x6c: {  	_ =	shalt  }
0x6d: {  	_ =	shalt  }
0x6e: {  	_ =	shalt  }
0x6f: {  	_ =	shalt  }
0x70: {  	_ =	shalt  }
0x71: {  	_ =	shalt  }
0x72: {  	_ =	shalt  }
0x73: {  	_ =	shalt  }
0x74: {  	_ =	shalt  }
0x75: {  	_ =	shalt  }
0x76: {  	_ =	shalt  }
0x77: {  	_ =	shalt  }
0x78: {  	_ =	shalt  }
0x79: {  	_ =	shalt  }
0x7a: {  	_ =	shalt  }
0x7b: {  	_ =	shalt  }
0x7c: {  	_ =	shalt  }
0x7d: {  	_ =	shalt  }
0x7e: {  	_ =	shalt  }
0x7f: {  	_ =	shalt  }
0x80: {  	_ =	shalt  }
0x81: {  	_ =	shalt  }
0x82: {  	_ =	shalt  }
0x83: {  	_ =	shalt  }
0x84: {  	_ =	shalt  }
0x85: {  	_ =	shalt  }
0x86: {  	_ =	shalt  }
0x87: {  	_ =	shalt  }
.Lfunc_end0:
.L_simem_size_0:
called_computation_lowered:
.L_overlay_start_0:
0x88: {  	s2 =	sld [smem:$0x3FD9]  }
0x89: {  	s3 =	sld [smem:$0x3FFE];
	_ =	sdelay $0x1  }
0x8a: {  	s1 =	srdreg.scid  }
0x8b: {  	s0 =	sand.u32 $0x1, s1  }
0x8c: {  	s17 =	sshll.u32 s0, $0xA;
	s2 =	sadd.s32 s3, s2  }
0x8d: {  	s2 =	sadd.s32 s2, s17  }
0x8e: {  	[smem:$0x3FC6] =	sst s2  }
0x8f: {  	_ = 	snop  }
0x90: {  	s2 =	sld [smem:$0x3FC8]  }
0x91: {  	s18 =	sld [smem:$0x3FD0];
	(tm) =	ssettm $0x1  }
0x92: {  	s4 =	sld [smem:$0x3FFB];
	_ =	sdelay $0x3  }
0x93: {  	_ =	strace s4  }
0x94: {  	s4 =	sld [smem:$0x3FFC];
	_ =	sdelay $0x3  }
0x95: {  	_ =	strace s4  }
0x96: {  	s4 =	sld [smem:$0x3FFD];
	_ =	sdelay $0x3  }
0x97: {  	_ =	strace s4  }
0x98: {  	_ =	strace $0x8FFFFFFF  }
0x99: {  	s19 =	sld [smem:$0x3FDB];
	_ =	sdelay $0x1  }
0x9a: {  	s5 =	simm.s32 $_scs_section_size  }
0x9b: {  	s6 =	simm.s32 $_size__tile_overlayer_lowered;
	s7 =	simm.s32 $_tile_overlayer_lowered  }
0x9c: {  	s22 =	simm.s32 $0x1BFF;
	s21 =	sshll.u32 s7, $0x1;
	s4 =	sadd.s32 s5, s19  }
0x9d: {  	s8 =	simm.s32 $0x0;
	s20 =	sshll.u32 s6, $0x1;
	s6 =	sadd.s32 s21, s4  }
0x9e: {  	[timem:s8], [sflag:s22] =	dma.local [hbm:s6], s20  }
0x9f: {  	_ =	swait.ge [sflag:s22], s20  }
0xa0: {  	s5 =	ssub.s32 $0x0, s20;
	[sflag:s22] =	ssyncset.done $0x0  }
0xa1: {  	[sflag:s22] =	ssyncadd.s32 s5;
	_ =	sdelay $0x1  }
0xa2: {  	s23 =	simm.s32 $0x1B8B  }
0xa3: {  	_ =	swait.ge [sflag:s23], $0x1  }
0xa4: {  	[sflag:s23] =	ssyncset.done $0x0  }
0xa5: {  	s25 =	simm.s32 $0x1B8E;
	s24 =	sld [smem:$0x3FFE];
	[sflag:s23] =	ssyncadd.s32 $0xFFFFFFFF  }
0xa6: {  	s26 =	simm.s32 $execute0_lowered;
	[smem:$0x3FD2] =	sst s25  }
0xa7: {  	s6 =	sshll.u32 s26, $0x1;
	_ =	strace $0x80000046;
	[dreg:$0x1] =	wrdreg $0xFFFFFFFF  }
0xa8: {  	s28 =	simm.s32 $_size_execute0_lowered;
	s4 =	sadd.s32 s4, s6;
	[dreg:$0x0] =	wrdreg $0x0  }
0xa9: {  	s6 =	sshll.u32 s28, $0x1;
	[dreg:$0x2] =	wrdreg s4  }
0xaa: {  	[dreg:$0x3] =	wrdreg s6  }
0xab: {  	[dreg:$0x4] =	wrdreg $0xC0  }
0xac: {  	_ =	task [dreg:s8], $0x5FFFF  }
0xad: {  	[dreg:$0x1] =	wrdreg $0xFFFFFFFF  }
0xae: {  	[dreg:$0x0] =	wrdreg $0x60  }
0xaf: {  	[dreg:$0x2] =	wrdreg s24  }
0xb0: {  	[dreg:$0x3] =	wrdreg s2  }
0xb1: {  	[dreg:$0x4] =	wrdreg s18  }
0xb2: {  	[dreg:$0x5] =	wrdreg $0x9  }
0xb3: {  	_ =	task.clear_ibuf [dreg:s8], $0x6FFFF;
	_ =	strace $0x90000046  }
0xb4: {  	s29 =	simm.s32 $0x9;
	_ =	strace $0x80000048  }
0xb5: {  	_ =	swait.ge [sflag:s29], $0x1  }
0xb6: {  	[sflag:s29] =	ssyncadd.s32 $0xFFFFFFFF  }
0xb7: {  	_ =	strace $0x90000048  }
0xb8: {  	_ =	sfence  }
0xb9: {  	s30 =	sld [smem:$0x0];
	_ =	sdelay $0x2  }
0xba: {  	s31 =	sshll.u32 s1, $0xD;
	s1 =	sshrl.u32 s1, $0x2  }
0xbb: {  	s3 =	sand.u32 $0x4000, s31;
	s1 =	sadd.s32 s1, s30  }
0xbc: {  	s0 =	sor.u32 s3, s0;
	s1 =	sshll.u32 s1, $0x11  }
0xbd: {  	s0 =	sor.u32 s1, s0  }
0xbe: {  	s0 =	sadd.s32 $0x8F2B, s0  }
0xbf: {  	[sflag:s0] =	ssyncadd.remote.s32 $0x1  }
0xc0: {  	_ =	sfence.sel $0xFFFF  }
0xc1: {  	[dreg:$0x0] =	wrdreg $0xFFFFFFFF;
	(pc) =	sbr.abs _section_cstart, $3  }
0xc2: {  	[dreg:$0x1] =	wrdreg $0xFFFFFFFF  }
0xc3: {  	_ =	task.clear_ibuf [dreg:s8], $0x2FFFF;
	_ =	strace $0x9FFFFFFF  }
0xc4: {  	(tm) =	ssettm $0x7FFFFFFF  }
0xc5: {  	_ =	shalt  }
tec
execute0_lowered:
.L_overlay_start_1:
0x0: {  	(tag) =	ssettag $0x1  }
0x1: {  	s0 =	rddreg [dreg:$0x0]  }
0x2: {  	s1 =	rddreg [dreg:$0x1]  }
0x3: {  	s2 =	rddreg [dreg:$0x2]  }
0x4: {  	s4 =	srdreg.scid;
	s3 =	simm.s32 $0x0;
	s9 =	stileid.u32  }
0x5: {  	s10 =	simm.s32 $0x4000;
	s14 =	simm.s32 $0x6000;
	s21 =	simm.s32 $0x10800  }
0x6: {  	s22 =	simm.s32 $0x11000;
	s23 =	simm.s32 $0x11800;
	s24 =	simm.s32 $0x12800  }
0x7: {  	s25 =	simm.s32 $0x13000;
	s26 =	simm.s32 $0x13800;
	s31 =	simm.s32 $0xE000  }
0x8: {  	s12 =	simm.s32 $0x10000;
	s13 =	simm.s32 $0x1;
	s15 =	simm.s32 $0x12000  }
0x9: {  	s16 =	simm.s32 $0x2;
	s28 =	simm.s32 $0x6;
	[smem:$0x7FF] =	sst s3  }
0xa: {  	s29 =	simm.s32 $0xD;
	_ =	strace $0x80000047;
	[dreg:$0x5] =	wrdreg s21  }
0xb: {  	s30 =	simm.s32 $0x7;
	s4 =	sand.u32 $0x1, s4;
	[dreg:$0x6] =	wrdreg s22  }
0xc: {  	s5 =	sshll.u32 s9, $0xC;
	s18 =	sshll.u32 s9, $0x12;
	[dreg:$0x7] =	wrdreg s23  }
0xd: {  	s9 =	simm.s32 $0x0;
	s6 =	sshll.u32 s4, $0xB;
	[dreg:$0x8] =	wrdreg s24  }
0xe: {  	s7 =	ssub.s32 $0x2, s4;
	s19 =	sshll.u32 s4, $0x11;
	[dreg:$0x9] =	wrdreg s25  }
0xf: {  	s22 =	simm.s32 $0xA000;
	[dreg:$0xa] =	wrdreg s26;
	s26 =	simm.s32 $0xC000  }
0x10: {  	s21 =	simm.s32 $0x4;
	s23 =	simm.s32 $0xB;
	s24 =	simm.s32 $0x5  }
0x11: {  	s25 =	simm.s32 $0xC;
	s5 =	sor.u32 s6, s5;
	s17 =	sshrl.u32 s7, $0x1  }
0x12: {  	s6 =	sadd.s32 $0x200, s1;
	s0 =	sadd.s32 s5, s0;
	s8 =	ssub.s32 s7, s17  }
0x13: {  	s5 =	sadd.s32 $0x100, s1;
	s7 =	sadd.s32 $0x300, s1;
	s0 =	sadd.s32 $0x400, s0  }
0x14: {  	s17 =	simm.s32 $0x9;
	s20 =	smax.u32 s8, $0x1;
	[dreg:$0xb] =	wrdreg s0  }
0x15: {  	v0 =	vlaneseq.u32;
	s0 =	sadd.s32 s18, s2;
	[dreg:$0xc] =	wrdreg s20;
	s18 =	simm.s32 $0x8000  }
0x16: {  	v1 =	vshrl.u32 v0, $0x3;
	s20 =	simm.s32 $0xA;
	s2 =	simm.s32 $0x8;
	s0 =	sadd.s32 s19, s0  }
0x17: {  	vm0 =	vmmov $0xffff;
	v0 =	vand.u32 $0x7, v0;
	v1 =	vmul.u32 $0x8, v1;
	s19 =	simm.s32 $0x3;
	[dreg:$0x4] =	wrdreg s0;
	s0 =	simm.s32 $0xE  }
.LBB2_1:
0x18: {  	[dreg:$0xd] =	wrdreg s9  }
0x19: {  	s4 =	rddreg [dreg:$0xb];
	s11 =	simm.s32 $0x11  }
0x1a: {  	[tilespmem:s3], [sflag:$0x11] =	stream.linear.gather [hbm4b:s4+s3], $0x4000, $0x38;
	[tilespmem:$0x14000] =	vst v63  }
0x1b: {  	_ =	swait.ge [sflag:s11], $0x4000  }
0x1c: {  	[sflag:s11] =	ssyncset.done $0x0  }
0x1d: {  	[sflag:s11] =	ssyncadd.s32 $0xFFFFC000  }
0x1e: {  	v2 =	vld.msk [tilespmem:$0x0], $0xff;
	_ =	sdelay $0x4  }
0x1f: {  	v3 =	vshll.u32 v2, $0x3  }
0x20: {  	v2 =	vand.u32 $0x7, v2;
	v3 =	vand.u32 $0xFFFFFFC0, v3  }
0x21: {  	v2 =	vor.u32 v2, v3  }
0x22: {  	v2 =	vperm.xlane v2, v0;
	_ =	sdelay $0x1  }
0x23: {  	v2 =	vadd.s32 v1, v2;
	_ =	sdelay $0x4  }
0x24: {  	[tilespmem:s10], [sflag:$0x1] =	stream.indirect_vreg.gather [hbm4b:s1+s3], $0x80, v2, vm0, $0xb8;
	[tilespmem:$0x14000] =	vst v63  }
0x25: {  	s8 =	simm.s32 $0x4800  }
0x26: {  	[tilespmem:s8], [sflag:$0x1] =	stream.indirect_vreg.gather [hbm4b:s5+s3], $0x80, v2, vm0, $0xb8;
	[tilespmem:$0x14000] =	vst v63  }
0x27: {  	s9 =	simm.s32 $0x5000  }
0x28: {  	[tilespmem:s9], [sflag:$0x1] =	stream.indirect_vreg.gather [hbm4b:s6+s3], $0x80, v2, vm0, $0xb8;
	[tilespmem:$0x14000] =	vst v63  }
0x29: {  	s11 =	simm.s32 $0x5800  }
0x2a: {  	[tilespmem:s11], [sflag:$0x1] =	stream.indirect_vreg.gather [hbm4b:s7+s3], $0x80, v2, vm0, $0xb8;
	[tilespmem:$0x14000] =	vst v63  }
0x2b: {  	v2 =	vld.msk [tilespmem:$0x80], $0xff;
	_ =	sdelay $0x4  }
0x2c: {  	v3 =	vshll.u32 v2, $0x3  }
0x2d: {  	v2 =	vand.u32 $0x7, v2;
	v3 =	vand.u32 $0xFFFFFFC0, v3  }
0x2e: {  	v2 =	vor.u32 v2, v3  }
0x2f: {  	v2 =	vperm.xlane v2, v0;
	_ =	sdelay $0x1  }
0x30: {  	v2 =	vadd.s32 v1, v2;
	_ =	sdelay $0x4  }
0x31: {  	[tilespmem:s14], [sflag:$0x2] =	stream.indirect_vreg.gather [hbm4b:s1+s3], $0x80, v2, vm0, $0xb8;
	[tilespmem:$0x14000] =	vst v63  }
0x32: {  	s8 =	simm.s32 $0x6800  }
0x33: {  	[tilespmem:s8], [sflag:$0x2] =	stream.indirect_vreg.gather [hbm4b:s5+s3], $0x80, v2, vm0, $0xb8;
	[tilespmem:$0x14000] =	vst v63  }
0x34: {  	s9 =	simm.s32 $0x7000  }
0x35: {  	[tilespmem:s9], [sflag:$0x2] =	stream.indirect_vreg.gather [hbm4b:s6+s3], $0x80, v2, vm0, $0xb8;
	[tilespmem:$0x14000] =	vst v63  }
0x36: {  	s11 =	simm.s32 $0x7800  }
0x37: {  	[tilespmem:s11], [sflag:$0x2] =	stream.indirect_vreg.gather [hbm4b:s7+s3], $0x80, v2, vm0, $0xb8;
	[tilespmem:$0x14000] =	vst v63  }
0x38: {  	v2 =	vld.msk [tilespmem:$0x100], $0xff;
	_ =	sdelay $0x4  }
0x39: {  	v3 =	vshll.u32 v2, $0x3  }
0x3a: {  	v2 =	vand.u32 $0x7, v2;
	v3 =	vand.u32 $0xFFFFFFC0, v3  }
0x3b: {  	v2 =	vor.u32 v2, v3  }
0x3c: {  	v2 =	vperm.xlane v2, v0;
	_ =	sdelay $0x1  }
0x3d: {  	v2 =	vadd.s32 v1, v2;
	_ =	sdelay $0x4  }
0x3e: {  	[tilespmem:s18], [sflag:$0x3] =	stream.indirect_vreg.gather [hbm4b:s1+s3], $0x80, v2, vm0, $0xb8;
	[tilespmem:$0x14000] =	vst v63  }
0x3f: {  	s8 =	simm.s32 $0x8800  }
0x40: {  	[tilespmem:s8], [sflag:$0x3] =	stream.indirect_vreg.gather [hbm4b:s5+s3], $0x80, v2, vm0, $0xb8;
	[tilespmem:$0x14000] =	vst v63  }
0x41: {  	s9 =	simm.s32 $0x9000  }
0x42: {  	[tilespmem:s9], [sflag:$0x3] =	stream.indirect_vreg.gather [hbm4b:s6+s3], $0x80, v2, vm0, $0xb8;
	[tilespmem:$0x14000] =	vst v63  }
0x43: {  	s11 =	simm.s32 $0x9800  }
0x44: {  	[tilespmem:s11], [sflag:$0x3] =	stream.indirect_vreg.gather [hbm4b:s7+s3], $0x80, v2, vm0, $0xb8;
	[tilespmem:$0x14000] =	vst v63  }
0x45: {  	v2 =	vld.msk [tilespmem:$0x180], $0xff;
	_ =	sdelay $0x4  }
0x46: {  	v3 =	vshll.u32 v2, $0x3  }
0x47: {  	v2 =	vand.u32 $0x7, v2;
	v3 =	vand.u32 $0xFFFFFFC0, v3  }
0x48: {  	v2 =	vor.u32 v2, v3  }
0x49: {  	v2 =	vperm.xlane v2, v0;
	_ =	sdelay $0x1  }
0x4a: {  	v2 =	vadd.s32 v1, v2;
	_ =	sdelay $0x4  }
0x4b: {  	[tilespmem:s22], [sflag:$0x4] =	stream.indirect_vreg.gather [hbm4b:s1+s3], $0x80, v2, vm0, $0xb8;
	[tilespmem:$0x14000] =	vst v63  }
0x4c: {  	s8 =	simm.s32 $0xA800  }
0x4d: {  	[tilespmem:s8], [sflag:$0x4] =	stream.indirect_vreg.gather [hbm4b:s5+s3], $0x80, v2, vm0, $0xb8;
	[tilespmem:$0x14000] =	vst v63  }
0x4e: {  	s9 =	simm.s32 $0xB000  }
0x4f: {  	[tilespmem:s9], [sflag:$0x4] =	stream.indirect_vreg.gather [hbm4b:s6+s3], $0x80, v2, vm0, $0xb8;
	[tilespmem:$0x14000] =	vst v63  }
0x50: {  	s11 =	simm.s32 $0xB800  }
0x51: {  	[tilespmem:s11], [sflag:$0x4] =	stream.indirect_vreg.gather [hbm4b:s7+s3], $0x80, v2, vm0, $0xb8;
	[tilespmem:$0x14000] =	vst v63  }
0x52: {  	v2 =	vld.msk [tilespmem:$0x200], $0xff;
	_ =	sdelay $0x4  }
0x53: {  	v3 =	vshll.u32 v2, $0x3  }
0x54: {  	v2 =	vand.u32 $0x7, v2;
	v3 =	vand.u32 $0xFFFFFFC0, v3  }
0x55: {  	v2 =	vor.u32 v2, v3  }
0x56: {  	v2 =	vperm.xlane v2, v0;
	_ =	sdelay $0x1  }
0x57: {  	v2 =	vadd.s32 v1, v2;
	_ =	sdelay $0x4  }
0x58: {  	[tilespmem:s26], [sflag:$0x5] =	stream.indirect_vreg.gather [hbm4b:s1+s3], $0x80, v2, vm0, $0xb8;
	[tilespmem:$0x14000] =	vst v63  }
0x59: {  	s8 =	simm.s32 $0xC800  }
0x5a: {  	[tilespmem:s8], [sflag:$0x5] =	stream.indirect_vreg.gather [hbm4b:s5+s3], $0x80, v2, vm0, $0xb8;
	[tilespmem:$0x14000] =	vst v63  }
0x5b: {  	s9 =	simm.s32 $0xD000  }
0x5c: {  	[tilespmem:s9], [sflag:$0x5] =	stream.indirect_vreg.gather [hbm4b:s6+s3], $0x80, v2, vm0, $0xb8;
	[tilespmem:$0x14000] =	vst v63  }
0x5d: {  	s11 =	simm.s32 $0xD800  }
0x5e: {  	[tilespmem:s11], [sflag:$0x5] =	stream.indirect_vreg.gather [hbm4b:s7+s3], $0x80, v2, vm0, $0xb8;
	[tilespmem:$0x14000] =	vst v63  }
0x5f: {  	v2 =	vld.msk [tilespmem:$0x280], $0xff;
	_ =	sdelay $0x4  }
0x60: {  	v3 =	vshll.u32 v2, $0x3  }
0x61: {  	v2 =	vand.u32 $0x7, v2;
	v3 =	vand.u32 $0xFFFFFFC0, v3  }
0x62: {  	v2 =	vor.u32 v2, v3  }
0x63: {  	v2 =	vperm.xlane v2, v0;
	_ =	sdelay $0x1  }
0x64: {  	v2 =	vadd.s32 v1, v2;
	_ =	sdelay $0x4  }
0x65: {  	[tilespmem:s31], [sflag:$0x6] =	stream.indirect_vreg.gather [hbm4b:s1+s3], $0x80, v2, vm0, $0xb8;
	[tilespmem:$0x14000] =	vst v63  }
0x66: {  	s8 =	simm.s32 $0xE800  }
0x67: {  	[tilespmem:s8], [sflag:$0x6] =	stream.indirect_vreg.gather [hbm4b:s5+s3], $0x80, v2, vm0, $0xb8;
	[tilespmem:$0x14000] =	vst v63  }
0x68: {  	s9 =	simm.s32 $0xF000  }
0x69: {  	[tilespmem:s9], [sflag:$0x6] =	stream.indirect_vreg.gather [hbm4b:s6+s3], $0x80, v2, vm0, $0xb8;
	[tilespmem:$0x14000] =	vst v63  }
0x6a: {  	s11 =	simm.s32 $0xF800  }
0x6b: {  	[tilespmem:s11], [sflag:$0x6] =	stream.indirect_vreg.gather [hbm4b:s7+s3], $0x80, v2, vm0, $0xb8;
	[tilespmem:$0x14000] =	vst v63  }
0x6c: {  	s9 =	simm.s32 $0x380;
	s11 =	simm.s32 $0x0  }
.LBB2_2:
0x6d: {  	p0 =	seq.s32 s11, $0x0  }
0x6e: {  	s4 =	simm.s32 @!p0 $0xF  }
0x6f: {  	_ =	swait.ge @!p0 [sflag:s4], $0x2000  }
0x70: {  	[sflag:s4] =	ssyncset.done @!p0 $0x0  }
0x71: {  	[sflag:s4] =	ssyncadd.s32 @!p0 $0xFFFFE000  }
0x72: {  	v2 =	vld.msk [tilespmem:s9+$0xFFFFFF80], $0xff;
	_ =	sdelay $0x4  }
0x73: {  	v3 =	vshll.u32 v2, $0x3  }
0x74: {  	v2 =	vand.u32 $0x7, v2;
	v3 =	vand.u32 $0xFFFFFFC0, v3  }
0x75: {  	v2 =	vor.u32 v2, v3  }
0x76: {  	v2 =	vperm.xlane v2, v0;
	_ =	sdelay $0x1  }
0x77: {  	v2 =	vadd.s32 v1, v2;
	_ =	sdelay $0x4  }
0x78: {  	[tilespmem:s12], [sflag:$0x7] =	stream.indirect_vreg.gather [hbm4b:s1+s3], $0x80, v2, vm0, $0xb8;
	[tilespmem:$0x14000] =	vst v63  }
0x79: {  	s4 =	rddreg [dreg:$0x5]  }
0x7a: {  	[tilespmem:s4], [sflag:$0x7] =	stream.indirect_vreg.gather [hbm4b:s5+s3], $0x80, v2, vm0, $0xb8;
	[tilespmem:$0x14000] =	vst v63  }
0x7b: {  	s8 =	rddreg [dreg:$0x6]  }
0x7c: {  	[tilespmem:s8], [sflag:$0x7] =	stream.indirect_vreg.gather [hbm4b:s6+s3], $0x80, v2, vm0, $0xb8;
	[tilespmem:$0x14000] =	vst v63  }
0x7d: {  	s4 =	rddreg [dreg:$0x7]  }
0x7e: {  	[tilespmem:s4], [sflag:$0x7] =	stream.indirect_vreg.gather [hbm4b:s7+s3], $0x80, v2, vm0, $0xb8;
	[tilespmem:$0x14000] =	vst v63  }
0x7f: {  	_ =	swait.ge [sflag:s13], $0x2000  }
0x80: {  	s8 =	rddreg [dreg:$0x4];
	[sflag:s13] =	ssyncset.done $0x0  }
0x81: {  	[sflag:s13] =	ssyncadd.s32 $0xFFFFE000;
	s4 =	sadd.s32 s11, s8;
	s8 =	simm.s32 @!p0 $0x10  }
0x82: {  	[hbm4b:s4+s3] =	stream.linear.scatter [tilespmem:s10], [sflag:$0x9], $0x2000, $0x38;
	[tilespmem:$0x14000] =	vst v63  }
0x83: {  	_ =	swait.ge @!p0 [sflag:s8], $0x2000  }
0x84: {  	[sflag:s8] =	ssyncset.done @!p0 $0x0  }
0x85: {  	[sflag:s8] =	ssyncadd.s32 @!p0 $0xFFFFE000  }
0x86: {  	v2 =	vld.msk [tilespmem:s9+$0x0], $0xff;
	_ =	sdelay $0x4  }
0x87: {  	v3 =	vshll.u32 v2, $0x3  }
0x88: {  	v2 =	vand.u32 $0x7, v2;
	v3 =	vand.u32 $0xFFFFFFC0, v3  }
0x89: {  	v2 =	vor.u32 v2, v3  }
0x8a: {  	v2 =	vperm.xlane v2, v0;
	_ =	sdelay $0x1  }
0x8b: {  	v2 =	vadd.s32 v1, v2;
	_ =	sdelay $0x4  }
0x8c: {  	[tilespmem:s15], [sflag:$0x8] =	stream.indirect_vreg.gather [hbm4b:s1+s3], $0x80, v2, vm0, $0xb8;
	[tilespmem:$0x14000] =	vst v63  }
0x8d: {  	s8 =	rddreg [dreg:$0x8]  }
0x8e: {  	[tilespmem:s8], [sflag:$0x8] =	stream.indirect_vreg.gather [hbm4b:s5+s3], $0x80, v2, vm0, $0xb8;
	[tilespmem:$0x14000] =	vst v63  }
0x8f: {  	s10 =	rddreg [dreg:$0x9]  }
0x90: {  	[tilespmem:s10], [sflag:$0x8] =	stream.indirect_vreg.gather [hbm4b:s6+s3], $0x80, v2, vm0, $0xb8;
	[tilespmem:$0x14000] =	vst v63  }
0x91: {  	s8 =	rddreg [dreg:$0xa]  }
0x92: {  	[tilespmem:s8], [sflag:$0x8] =	stream.indirect_vreg.gather [hbm4b:s7+s3], $0x80, v2, vm0, $0xb8;
	[tilespmem:$0x14000] =	vst v63  }
0x93: {  	_ =	swait.ge [sflag:s16], $0x2000  }
0x94: {  	[sflag:s16] =	ssyncset.done $0x0  }
0x95: {  	s10 =	sadd.s32 $0x400, s4;
	[sflag:s16] =	ssyncadd.s32 $0xFFFFE000  }
0x96: {  	[hbm4b:s10+s3] =	stream.linear.scatter [tilespmem:s14], [sflag:$0xA], $0x2000, $0x38;
	[tilespmem:$0x14000] =	vst v63  }
0x97: {  	_ =	swait.ge [sflag:s17], $0x2000  }
0x98: {  	[sflag:s17] =	ssyncset.done $0x0  }
0x99: {  	p0 =	seq.s32 s11, $0x1E000;
	[sflag:s17] =	ssyncadd.s32 $0xFFFFE000  }
0x9a: {  	v2 =	vld.msk @!p0 [tilespmem:s9+$0x80], $0xff;
	_ =	sdelay $0x4  }
0x9b: {  	v3 =	vshll.u32 @!p0 v2, $0x3  }
0x9c: {  	v4 =	vlaneseq.u32 @!p0;
	v2 =	vand.u32 @!p0 $0x7, v2;
	v3 =	vand.u32 @!p0 $0xFFFFFFC0, v3  }
0x9d: {  	v2 =	vor.u32 @!p0 v2, v3;
	v3 =	vand.u32 @!p0 $0x7, v4;
	v4 =	vshrl.u32 @!p0 v4, $0x3  }
0x9e: {  	v2 =	vperm.xlane @!p0 v2, v3;
	v4 =	vmul.u32 @!p0 $0x8, v4;
	_ =	sdelay $0x1  }
0x9f: {  	v2 =	vadd.s32 @!p0 v4, v2;
	_ =	sdelay $0x3  }
0xa0: {  	vm1 =	vmmov @!p0 $0xffff;
	s8 =	simm.s32 @!p0 $0x0;
	s10 =	simm.s32 @!p0 $0x4000  }
0xa1: {  	[tilespmem:s10], [sflag:$0x1] =	stream.indirect_vreg.gather @!p0 [hbm4b:s1+s8], $0x80, v2, vm1, $0xb8;
	[tilespmem:$0x14000] =	vst v63  }
0xa2: {  	s10 =	simm.s32 @!p0 $0x4800  }
0xa3: {  	[tilespmem:s10], [sflag:$0x1] =	stream.indirect_vreg.gather @!p0 [hbm4b:s5+s8], $0x80, v2, vm1, $0xb8;
	[tilespmem:$0x14000] =	vst v63  }
0xa4: {  	s10 =	simm.s32 @!p0 $0x5000  }
0xa5: {  	[tilespmem:s10], [sflag:$0x1] =	stream.indirect_vreg.gather @!p0 [hbm4b:s6+s8], $0x80, v2, vm1, $0xb8;
	[tilespmem:$0x14000] =	vst v63  }
0xa6: {  	s10 =	simm.s32 @!p0 $0x5800  }
0xa7: {  	[tilespmem:s10], [sflag:$0x1] =	stream.indirect_vreg.gather @!p0 [hbm4b:s7+s8], $0x80, v2, vm1, $0xb8;
	[tilespmem:$0x14000] =	vst v63  }
0xa8: {  	_ =	swait.ge [sflag:s19], $0x2000  }
0xa9: {  	[sflag:s19] =	ssyncset.done $0x0  }
0xaa: {  	s10 =	sadd.s32 $0x800, s4;
	[sflag:s19] =	ssyncadd.s32 $0xFFFFE000  }
0xab: {  	[hbm4b:s10+s3] =	stream.linear.scatter [tilespmem:s18], [sflag:$0xB], $0x2000, $0x38;
	[tilespmem:$0x14000] =	vst v63  }
0xac: {  	_ =	swait.ge [sflag:s20], $0x2000  }
0xad: {  	[sflag:s20] =	ssyncset.done $0x0  }
0xae: {  	[sflag:s20] =	ssyncadd.s32 $0xFFFFE000  }
0xaf: {  	v2 =	vld.msk @!p0 [tilespmem:s9+$0x100], $0xff;
	_ =	sdelay $0x4  }
0xb0: {  	v5 =	vshll.u32 @!p0 v2, $0x3  }
0xb1: {  	v2 =	vand.u32 @!p0 $0x7, v2;
	v5 =	vand.u32 @!p0 $0xFFFFFFC0, v5  }
0xb2: {  	v2 =	vor.u32 @!p0 v2, v5  }
0xb3: {  	v2 =	vperm.xlane @!p0 v2, v3;
	_ =	sdelay $0x1  }
0xb4: {  	v2 =	vadd.s32 @!p0 v4, v2;
	_ =	sdelay $0x3  }
0xb5: {  	s10 =	simm.s32 @!p0 $0x6000  }
0xb6: {  	[tilespmem:s10], [sflag:$0x2] =	stream.indirect_vreg.gather @!p0 [hbm4b:s1+s8], $0x80, v2, vm1, $0xb8;
	[tilespmem:$0x14000] =	vst v63  }
0xb7: {  	s10 =	simm.s32 @!p0 $0x6800  }
0xb8: {  	[tilespmem:s10], [sflag:$0x2] =	stream.indirect_vreg.gather @!p0 [hbm4b:s5+s8], $0x80, v2, vm1, $0xb8;
	[tilespmem:$0x14000] =	vst v63  }
0xb9: {  	s10 =	simm.s32 @!p0 $0x7000  }
0xba: {  	[tilespmem:s10], [sflag:$0x2] =	stream.indirect_vreg.gather @!p0 [hbm4b:s6+s8], $0x80, v2, vm1, $0xb8;
	[tilespmem:$0x14000] =	vst v63  }
0xbb: {  	s10 =	simm.s32 @!p0 $0x7800  }
0xbc: {  	[tilespmem:s10], [sflag:$0x2] =	stream.indirect_vreg.gather @!p0 [hbm4b:s7+s8], $0x80, v2, vm1, $0xb8;
	[tilespmem:$0x14000] =	vst v63  }
0xbd: {  	_ =	swait.ge [sflag:s21], $0x2000  }
0xbe: {  	[sflag:s21] =	ssyncset.done $0x0  }
0xbf: {  	s10 =	sadd.s32 $0xC00, s4;
	[sflag:s21] =	ssyncadd.s32 $0xFFFFE000  }
0xc0: {  	[hbm4b:s10+s3] =	stream.linear.scatter [tilespmem:s22], [sflag:$0xC], $0x2000, $0x38;
	[tilespmem:$0x14000] =	vst v63  }
0xc1: {  	_ =	swait.ge [sflag:s23], $0x2000  }
0xc2: {  	[sflag:s23] =	ssyncset.done $0x0  }
0xc3: {  	[sflag:s23] =	ssyncadd.s32 $0xFFFFE000  }
0xc4: {  	v2 =	vld.msk @!p0 [tilespmem:s9+$0x180], $0xff;
	_ =	sdelay $0x4  }
0xc5: {  	v5 =	vshll.u32 @!p0 v2, $0x3  }
0xc6: {  	v2 =	vand.u32 @!p0 $0x7, v2;
	v5 =	vand.u32 @!p0 $0xFFFFFFC0, v5  }
0xc7: {  	v2 =	vor.u32 @!p0 v2, v5  }
0xc8: {  	v2 =	vperm.xlane @!p0 v2, v3;
	_ =	sdelay $0x1  }
0xc9: {  	v2 =	vadd.s32 @!p0 v4, v2;
	_ =	sdelay $0x3  }
0xca: {  	s10 =	simm.s32 @!p0 $0x8000  }
0xcb: {  	[tilespmem:s10], [sflag:$0x3] =	stream.indirect_vreg.gather @!p0 [hbm4b:s1+s8], $0x80, v2, vm1, $0xb8;
	[tilespmem:$0x14000] =	vst v63  }
0xcc: {  	s10 =	simm.s32 @!p0 $0x8800  }
0xcd: {  	[tilespmem:s10], [sflag:$0x3] =	stream.indirect_vreg.gather @!p0 [hbm4b:s5+s8], $0x80, v2, vm1, $0xb8;
	[tilespmem:$0x14000] =	vst v63  }
0xce: {  	s10 =	simm.s32 @!p0 $0x9000  }
0xcf: {  	[tilespmem:s10], [sflag:$0x3] =	stream.indirect_vreg.gather @!p0 [hbm4b:s6+s8], $0x80, v2, vm1, $0xb8;
	[tilespmem:$0x14000] =	vst v63  }
0xd0: {  	s10 =	simm.s32 @!p0 $0x9800  }
0xd1: {  	[tilespmem:s10], [sflag:$0x3] =	stream.indirect_vreg.gather @!p0 [hbm4b:s7+s8], $0x80, v2, vm1, $0xb8;
	[tilespmem:$0x14000] =	vst v63  }
0xd2: {  	_ =	swait.ge [sflag:s24], $0x2000  }
0xd3: {  	[sflag:s24] =	ssyncset.done $0x0  }
0xd4: {  	s10 =	sadd.s32 $0x1000, s4;
	[sflag:s24] =	ssyncadd.s32 $0xFFFFE000  }
0xd5: {  	[hbm4b:s10+s3] =	stream.linear.scatter [tilespmem:s26], [sflag:$0xD], $0x2000, $0x38;
	[tilespmem:$0x14000] =	vst v63  }
0xd6: {  	_ =	swait.ge [sflag:s25], $0x2000  }
0xd7: {  	[sflag:s25] =	ssyncset.done $0x0  }
0xd8: {  	[sflag:s25] =	ssyncadd.s32 $0xFFFFE000  }
0xd9: {  	v2 =	vld.msk @!p0 [tilespmem:s9+$0x200], $0xff;
	_ =	sdelay $0x4  }
0xda: {  	v5 =	vshll.u32 @!p0 v2, $0x3  }
0xdb: {  	v2 =	vand.u32 @!p0 $0x7, v2;
	v5 =	vand.u32 @!p0 $0xFFFFFFC0, v5  }
0xdc: {  	v2 =	vor.u32 @!p0 v2, v5  }
0xdd: {  	v2 =	vperm.xlane @!p0 v2, v3;
	_ =	sdelay $0x1  }
0xde: {  	v2 =	vadd.s32 @!p0 v4, v2;
	_ =	sdelay $0x3  }
0xdf: {  	s10 =	simm.s32 @!p0 $0xA000  }
0xe0: {  	[tilespmem:s10], [sflag:$0x4] =	stream.indirect_vreg.gather @!p0 [hbm4b:s1+s8], $0x80, v2, vm1, $0xb8;
	[tilespmem:$0x14000] =	vst v63  }
0xe1: {  	s10 =	simm.s32 @!p0 $0xA800  }
0xe2: {  	[tilespmem:s10], [sflag:$0x4] =	stream.indirect_vreg.gather @!p0 [hbm4b:s5+s8], $0x80, v2, vm1, $0xb8;
	[tilespmem:$0x14000] =	vst v63  }
0xe3: {  	s10 =	simm.s32 @!p0 $0xB000  }
0xe4: {  	[tilespmem:s10], [sflag:$0x4] =	stream.indirect_vreg.gather @!p0 [hbm4b:s6+s8], $0x80, v2, vm1, $0xb8;
	[tilespmem:$0x14000] =	vst v63  }
0xe5: {  	s10 =	simm.s32 @!p0 $0xB800  }
0xe6: {  	[tilespmem:s10], [sflag:$0x4] =	stream.indirect_vreg.gather @!p0 [hbm4b:s7+s8], $0x80, v2, vm1, $0xb8;
	[tilespmem:$0x14000] =	vst v63  }
0xe7: {  	_ =	swait.ge [sflag:s28], $0x2000  }
0xe8: {  	[sflag:s28] =	ssyncset.done $0x0  }
0xe9: {  	s10 =	sadd.s32 $0x1400, s4;
	[sflag:s28] =	ssyncadd.s32 $0xFFFFE000  }
0xea: {  	[hbm4b:s10+s3] =	stream.linear.scatter [tilespmem:s31], [sflag:$0xE], $0x2000, $0x38;
	[tilespmem:$0x14000] =	vst v63  }
0xeb: {  	_ =	swait.ge [sflag:s29], $0x2000  }
0xec: {  	[sflag:s29] =	ssyncset.done $0x0  }
0xed: {  	[sflag:s29] =	ssyncadd.s32 $0xFFFFE000  }
0xee: {  	v2 =	vld.msk @!p0 [tilespmem:s9+$0x280], $0xff;
	_ =	sdelay $0x4  }
0xef: {  	v5 =	vshll.u32 @!p0 v2, $0x3  }
0xf0: {  	v2 =	vand.u32 @!p0 $0x7, v2;
	v5 =	vand.u32 @!p0 $0xFFFFFFC0, v5  }
0xf1: {  	v2 =	vor.u32 @!p0 v2, v5  }
0xf2: {  	v2 =	vperm.xlane @!p0 v2, v3;
	_ =	sdelay $0x1  }
0xf3: {  	v2 =	vadd.s32 @!p0 v4, v2;
	_ =	sdelay $0x3  }
0xf4: {  	s10 =	simm.s32 @!p0 $0xC000  }
0xf5: {  	[tilespmem:s10], [sflag:$0x5] =	stream.indirect_vreg.gather @!p0 [hbm4b:s1+s8], $0x80, v2, vm1, $0xb8;
	[tilespmem:$0x14000] =	vst v63  }
0xf6: {  	s10 =	simm.s32 @!p0 $0xC800  }
0xf7: {  	[tilespmem:s10], [sflag:$0x5] =	stream.indirect_vreg.gather @!p0 [hbm4b:s5+s8], $0x80, v2, vm1, $0xb8;
	[tilespmem:$0x14000] =	vst v63  }
0xf8: {  	s10 =	simm.s32 @!p0 $0xD000  }
0xf9: {  	[tilespmem:s10], [sflag:$0x5] =	stream.indirect_vreg.gather @!p0 [hbm4b:s6+s8], $0x80, v2, vm1, $0xb8;
	[tilespmem:$0x14000] =	vst v63  }
0xfa: {  	s10 =	simm.s32 @!p0 $0xD800  }
0xfb: {  	[tilespmem:s10], [sflag:$0x5] =	stream.indirect_vreg.gather @!p0 [hbm4b:s7+s8], $0x80, v2, vm1, $0xb8;
	[tilespmem:$0x14000] =	vst v63  }
0xfc: {  	_ =	swait.ge [sflag:s30], $0x2000  }
0xfd: {  	[sflag:s30] =	ssyncset.done $0x0  }
0xfe: {  	s10 =	sadd.s32 $0x1800, s4;
	[sflag:s30] =	ssyncadd.s32 $0xFFFFE000  }
0xff: {  	[hbm4b:s10+s3] =	stream.linear.scatter [tilespmem:s12], [sflag:$0xF], $0x2000, $0x38;
	[tilespmem:$0x14000] =	vst v63  }
0x100: {  	_ =	swait.ge [sflag:s0], $0x2000  }
0x101: {  	[sflag:s0] =	ssyncset.done $0x0  }
0x102: {  	[sflag:s0] =	ssyncadd.s32 $0xFFFFE000  }
0x103: {  	v2 =	vld.msk @!p0 [tilespmem:s9+$0x300], $0xff;
	_ =	sdelay $0x4  }
0x104: {  	v5 =	vshll.u32 @!p0 v2, $0x3  }
0x105: {  	v2 =	vand.u32 @!p0 $0x7, v2;
	v5 =	vand.u32 @!p0 $0xFFFFFFC0, v5  }
0x106: {  	v2 =	vor.u32 @!p0 v2, v5  }
0x107: {  	v2 =	vperm.xlane @!p0 v2, v3;
	_ =	sdelay $0x1  }
0x108: {  	v2 =	vadd.s32 @!p0 v4, v2;
	_ =	sdelay $0x3  }
0x109: {  	s10 =	simm.s32 @!p0 $0xE000  }
0x10a: {  	[tilespmem:s10], [sflag:$0x6] =	stream.indirect_vreg.gather @!p0 [hbm4b:s1+s8], $0x80, v2, vm1, $0xb8;
	[tilespmem:$0x14000] =	vst v63  }
0x10b: {  	s10 =	simm.s32 @!p0 $0xE800  }
0x10c: {  	[tilespmem:s10], [sflag:$0x6] =	stream.indirect_vreg.gather @!p0 [hbm4b:s5+s8], $0x80, v2, vm1, $0xb8;
	[tilespmem:$0x14000] =	vst v63  }
0x10d: {  	s10 =	simm.s32 @!p0 $0xF000  }
0x10e: {  	[tilespmem:s10], [sflag:$0x6] =	stream.indirect_vreg.gather @!p0 [hbm4b:s6+s8], $0x80, v2, vm1, $0xb8;
	[tilespmem:$0x14000] =	vst v63  }
0x10f: {  	s11 =	sadd.s32 $0x2000, s11;
	s10 =	simm.s32 @!p0 $0xF800  }
0x110: {  	[tilespmem:s10], [sflag:$0x6] =	stream.indirect_vreg.gather @!p0 [hbm4b:s7+s8], $0x80, v2, vm1, $0xb8;
	[tilespmem:$0x14000] =	vst v63  }
0x111: {  	p0 =	sne.s32 s11, $0x20000  }
.Ltmp0:
0x112: {  	_ = 	snop;
	(pc) =	sbr.rel @p0 .LBB2_2-.Ltmp0, $4  }
0x113: {  	_ =	swait.ge [sflag:s2], $0x2000  }
0x114: {  	s4 =	sadd.s32 $0x1C00, s4;
	[sflag:s2] =	ssyncset.done $0x0  }
0x115: {  	s9 =	sadd.s32 $0x400, s9;
	s10 =	simm.s32 $0x4000;
	[sflag:s2] =	ssyncadd.s32 $0xFFFFE000  }
0x116: {  	[hbm4b:s4+s3] =	stream.linear.scatter [tilespmem:s15], [sflag:$0x10], $0x2000, $0x38;
	[tilespmem:$0x14000] =	vst v63  }
0x117: {  	s4 =	simm.s32 $0xF  }
0x118: {  	_ =	swait.ge [sflag:s4], $0x2000  }
0x119: {  	[sflag:s4] =	ssyncset.done $0x0  }
0x11a: {  	s8 =	simm.s32 $0x10;
	[sflag:s4] =	ssyncadd.s32 $0xFFFFE000  }
0x11b: {  	_ =	swait.ge [sflag:s8], $0x2000  }
0x11c: {  	s9 =	rddreg [dreg:$0xd]  }
0x11d: {  	s11 =	rddreg [dreg:$0xc];
	s9 =	sadd.s32 $0x1, s9  }
0x11e: {  	p0 =	sne.s32 s9, s11  }
.Ltmp1:
0x11f: {  	_ = 	snop;
	(pc) =	sbr.rel @p0 .LBB2_1-.Ltmp1, $3  }
0x120: {  	_ =	sdelay $0x1  }
0x121: {  	[sflag:s8] =	ssyncset.done $0x0  }
0x122: {  	[sflag:s8] =	ssyncadd.s32 $0xFFFFE000  }
0x123: {  	_ =	sfence.sel $0x180000  }
0x124: {  	[bflag:$0x0] =	sbarrier.arrive $0xFFFF  }
0x125: {  	_ =	strace $0x90000047  }
0x126: {  	s0 =	stileid.u32;
	[bflag:$0x2] =	sbarrier.arrive $0xFFFF  }
0x127: {  	p0 =	sne.s32 s0, $0x0;
	s0 =	rddreg [dreg:$0x3]  }
0x128: {  	s0 =	sadd.s32 @!p0 $0x100000, s0  }
0x129: {  	[sflag:s0] =	ssyncadd.tile.s32 @!p0 $0x1;
	_ =	shalt  }
.Lfunc_end2:
_tile_overlayer_lowered:
.L_overlay_start_2:
0x12a: {  	(tag) =	ssettag $0x2  }
0x12b: {  	s0 =	rddreg [dreg:$0x0];
	s2 =	stileid.u32  }
0x12c: {  	s1 =	rddreg [dreg:$0x1];
	p0 =	sne.s32 s2, $0x0  }
0x12d: {  	s3 =	rddreg [dreg:$0x2];
	[bflag:$0x3] =	sbarrier.arrive $0xFFFF;
	s2 =	simm.s32 @!p0 $0x1C11  }
0x12e: {  	[timem:s3], [sflag:s2] =	dma.local @!p0 [hbm:s0], s1  }
0x12f: {  	s0 =	simm.s32 @!p0 $0x11  }
0x130: {  	_ =	swait.ge @!p0 [sflag:s0], s1  }
0x131: {  	s1 =	ssub.s32 @!p0 $0x0, s1;
	[sflag:s0] =	ssyncset.done @!p0 $0x0  }
0x132: {  	[sflag:s0] =	ssyncadd.s32 @!p0 s1  }
0x133: {  	[bflag:$0x3] =	sbarrier.arrive $0xFFFF  }
0x134: {  	_ =	shalt  }

</sc_bundles>
